<compile_context>
chip_gen: v7x
topology: tpu7x:2x2x1
jax: 0.10.2.dev20260603
libtpu: 0.0.44.dev20260713+nightly
codegen_flags: <defaults>
</compile_context>

<pallas_src>
import functools

import jax
import jax.numpy as jnp
from jax import lax
from jax.experimental import pallas as pl
from jax.experimental.pallas import tpu as pltpu
from jax.experimental.pallas import tpu_sc as plsc

N_NODES = 10000
N_EDGES = 320000
D_IN = 128
D_HID = 256
D_OUT = 128

NC = 2
NS = 16
NW = NC * NS

K = 128
BPT = 80
EPT = K * BPT
E_PAD = NW * EPT
ROWS_PER_TILE = 632
N_PAD = NS * ROWS_PER_TILE
TRASH = N_NODES

RB = 1000
GRID = N_NODES // RB

_mesh = plsc.VectorSubcoreMesh(core_axis_name="c", subcore_axis_name="s")



DW = 16


@functools.partial(
    pl.kernel,
    mesh=_mesh,
    out_type=jax.ShapeDtypeStruct((NC, N_PAD, DW), jnp.float32),
    scratch_types=[
        pltpu.VMEM((BPT, K), jnp.int32),
        pltpu.VMEM((K, DW), jnp.float32),
        pltpu.VMEM_SHARED((N_PAD, DW), jnp.float32),
    ],
)
def _sc_degree(dst_hbm, deg_out, dstv, buf, zsh):
    c = lax.axis_index("c")
    s = lax.axis_index("s")
    wid = s * NC + c
    r0 = s * ROWS_PER_TILE

    pltpu.sync_copy(dst_hbm.at[pl.ds(wid * BPT, BPT)], dstv)

    zeros16 = jnp.zeros((DW,), jnp.float32)
    ones16 = jnp.ones((DW,), jnp.float32)

    def _zero(i, _):
        buf[i, pl.ds(0, DW)] = zeros16
        return _

    lax.fori_loop(0, K, _zero, 0)

    for t in range(5):
        rows = 128 if t < 4 else ROWS_PER_TILE - 4 * 128
        pltpu.sync_copy(buf.at[pl.ds(0, rows)],
                        zsh.at[pl.ds(r0 + t * 128, rows)])

    def _fill(i, _):
        buf[i, pl.ds(0, DW)] = ones16
        return _

    lax.fori_loop(0, K, _fill, 0)

    plsc.subcore_barrier()

    def _hist(j, _):
        pltpu.sync_copy(buf, zsh.at[dstv.at[j]], add=True)
        return _

    lax.fori_loop(0, BPT, _hist, 0)

    plsc.subcore_barrier()

    pltpu.sync_copy(zsh.at[pl.ds(r0, ROWS_PER_TILE)],
                    deg_out.at[c, pl.ds(r0, ROWS_PER_TILE)])



@functools.partial(
    pl.kernel,
    mesh=_mesh,
    out_type=jax.ShapeDtypeStruct((NC, N_PAD, D_IN), jnp.float32),
    scratch_types=[
        pltpu.VMEM((BPT // 2, K), jnp.int32),
        pltpu.VMEM((BPT // 2, K), jnp.int32),
        pltpu.VMEM((2, K, D_IN), jnp.float32),
        pltpu.VMEM_SHARED((N_PAD, D_IN), jnp.float32),
        pltpu.SemaphoreType.DMA,
    ],
)
def _sc_scatter(u_hbm, src_hbm, dst_hbm, z_out, srcv, dstv, buf, zsh, sem):
    c = lax.axis_index("c")
    s = lax.axis_index("s")
    wid = s * NC + c
    r0 = s * ROWS_PER_TILE
    BPH = BPT // 2

    zeros16 = jnp.zeros((16,), jnp.float32)

    def _zero(i, _):
        j = i // (D_IN // 16)
        k = i % (D_IN // 16)
        buf[0, j, pl.ds(k * 16, 16)] = zeros16
        return _

    lax.fori_loop(0, K * D_IN // 16, _zero, 0)

    for t in range(5):
        rows = 128 if t < 4 else ROWS_PER_TILE - 4 * 128
        pltpu.sync_copy(buf.at[0, pl.ds(0, rows)],
                        zsh.at[pl.ds(r0 + t * 128, rows)])

    plsc.subcore_barrier()

    for h in range(2):
        b0 = wid * BPT + h * BPH
        pltpu.sync_copy(src_hbm.at[pl.ds(b0, BPH)], srcv)
        pltpu.sync_copy(dst_hbm.at[pl.ds(b0, BPH)], dstv)

        pltpu.async_copy(u_hbm.at[srcv.at[0]], buf.at[0], sem)

        def _edge(j, carry):
            p = lax.rem(j, 2)
            pltpu.make_async_copy(u_hbm.at[srcv.at[j]], buf.at[p], sem).wait()

            @pl.when(j + 1 < BPH)
            def _fire_next():
                pltpu.async_copy(u_hbm.at[srcv.at[j + 1]], buf.at[1 - p], sem)

            pltpu.sync_copy(buf.at[p], zsh.at[dstv.at[j]], add=True)
            return carry

        lax.fori_loop(0, BPH, _edge, 0)

    plsc.subcore_barrier()

    pltpu.sync_copy(zsh.at[pl.ds(r0, ROWS_PER_TILE)],
                    z_out.at[c, pl.ds(r0, ROWS_PER_TILE)])



def _tc_prep_body(d0_ref, d1_ref, x_ref, u1_ref, dinv_ref):
    deg = d0_ref[0][:, :1] + d1_ref[0][:, :1] + 1.0
    dv = lax.rsqrt(deg)
    dinv_ref[...] = dv
    u1_ref[...] = x_ref[...] * dv


def _tc_prep(deg_parts, x):
    return pl.pallas_call(
        _tc_prep_body,
        grid=(GRID,),
        in_specs=[
            pl.BlockSpec((1, RB, DW), lambda i: (0, i, 0)),
            pl.BlockSpec((1, RB, DW), lambda i: (1, i, 0)),
            pl.BlockSpec((RB, D_IN), lambda i: (i, 0)),
        ],
        out_specs=[
            pl.BlockSpec((RB, D_IN), lambda i: (i, 0)),
            pl.BlockSpec((RB, 1), lambda i: (i, 0)),
        ],
        out_shape=[
            jax.ShapeDtypeStruct((N_NODES, D_IN), jnp.float32),
            jax.ShapeDtypeStruct((N_NODES, 1), jnp.float32),
        ],
    )(deg_parts, deg_parts, x)



def _tc_mid_body(z0_ref, z1_ref, u1_ref, dinv_ref, w1_ref, b1_ref, w2_ref,
                 u2_ref):
    dv = dinv_ref[...]
    agg = dv * (z0_ref[0] + z1_ref[0] + u1_ref[...])
    h1 = jnp.maximum(
        jnp.dot(agg, w1_ref[...], preferred_element_type=jnp.float32)
        + b1_ref[...], 0.0)
    m2 = jnp.dot(h1, w2_ref[...], preferred_element_type=jnp.float32)
    u2_ref[...] = dv * m2


def _tc_mid(z1, u1, dinv, W1, b1r, W2):
    return pl.pallas_call(
        _tc_mid_body,
        grid=(GRID,),
        in_specs=[
            pl.BlockSpec((1, RB, D_IN), lambda i: (0, i, 0)),
            pl.BlockSpec((1, RB, D_IN), lambda i: (1, i, 0)),
            pl.BlockSpec((RB, D_IN), lambda i: (i, 0)),
            pl.BlockSpec((RB, 1), lambda i: (i, 0)),
            pl.BlockSpec((D_IN, D_HID), lambda i: (0, 0)),
            pl.BlockSpec((1, D_HID), lambda i: (0, 0)),
            pl.BlockSpec((D_HID, D_OUT), lambda i: (0, 0)),
        ],
        out_specs=pl.BlockSpec((RB, D_OUT), lambda i: (i, 0)),
        out_shape=jax.ShapeDtypeStruct((N_NODES, D_OUT), jnp.float32),
    )(z1, z1, u1, dinv, W1, b1r, W2)



def _tc_final_body(z0_ref, z1_ref, u2_ref, dinv_ref, wfc_ref, b2_ref, bfc_ref,
                   out_ref):
    agg = dinv_ref[...] * (z0_ref[0] + z1_ref[0] + u2_ref[...])
    cb = (jnp.dot(b2_ref[...], wfc_ref[...],
                  preferred_element_type=jnp.float32) + bfc_ref[...])
    out_ref[...] = (
        jnp.dot(agg, wfc_ref[...], preferred_element_type=jnp.float32) + cb)


def _tc_final(z2, u2, dinv, Wfc, b2r, bfcr):
    return pl.pallas_call(
        _tc_final_body,
        grid=(GRID,),
        in_specs=[
            pl.BlockSpec((1, RB, D_OUT), lambda i: (0, i, 0)),
            pl.BlockSpec((1, RB, D_OUT), lambda i: (1, i, 0)),
            pl.BlockSpec((RB, D_OUT), lambda i: (i, 0)),
            pl.BlockSpec((RB, 1), lambda i: (i, 0)),
            pl.BlockSpec((D_OUT, D_IN), lambda i: (0, 0)),
            pl.BlockSpec((1, D_OUT), lambda i: (0, 0)),
            pl.BlockSpec((1, D_IN), lambda i: (0, 0)),
        ],
        out_specs=pl.BlockSpec((RB, D_IN), lambda i: (i, 0)),
        out_shape=jax.ShapeDtypeStruct((N_NODES, D_IN), jnp.float32),
    )(z2, z2, u2, dinv, Wfc, b2r, bfcr)



def kernel(x, edge_index, W1, b1, W2, b2, Wfc, bfc):
    src = edge_index[0].astype(jnp.int32)
    dst = edge_index[1].astype(jnp.int32)
    pad = E_PAD - N_EDGES
    pad_ids = jnp.arange(pad, dtype=jnp.int32)
    src_p = jnp.concatenate(
        [src, pad_ids % N_NODES]).reshape(E_PAD // K, K)
    dst_p = jnp.concatenate(
        [dst, TRASH + pad_ids % (N_PAD - N_NODES)]).reshape(E_PAD // K, K)

    deg_parts = _sc_degree(dst_p)
    u1, dinv = _tc_prep(deg_parts, x)

    z1 = _sc_scatter(u1, src_p, dst_p)
    u2 = _tc_mid(z1, u1, dinv, W1, b1.reshape(1, D_HID), W2)

    z2 = _sc_scatter(u2, src_p, dst_p)
    out = _tc_final(z2, u2, dinv, Wfc, b2.reshape(1, D_OUT),
                    bfc.reshape(1, D_IN))
    return out

# --- scband reference (transcript-rebuilt; emitter-appended) ---
"""Pipeline reference for scband-team-gnn-88407606821044 (READ-ONLY COPY).

The authoritative reference and input builder live on the scoring server;
editing this copy changes nothing except your own understanding.
"""

import jax, jax.numpy as jnp
import numpy as np

N_NODES = 10000
N_EDGES = 320000
D_IN = 128
D_HID = 256
D_OUT = 128


def _glorot(key, shape):
    fan_in, fan_out = shape[0], shape[1]
    limit = jnp.sqrt(6.0 / (fan_in + fan_out))
    return jax.random.uniform(key, shape, dtype=jnp.float32, minval=-limit, maxval=limit)


def setup_inputs(seed: int = 0) -> dict:
    key = jax.random.key(seed)
    ks = jax.random.split(key, 8)
    x = jax.random.normal(ks[0], (N_NODES, D_IN), dtype=jnp.float32)
    edge_index = jax.random.randint(ks[1], (2, N_EDGES), 0, N_NODES, dtype=jnp.int64)
    W1 = _glorot(ks[2], (D_IN, D_HID))
    b1 = jnp.zeros((D_HID,), dtype=jnp.float32)
    W2 = _glorot(ks[3], (D_HID, D_OUT))
    b2 = jnp.zeros((D_OUT,), dtype=jnp.float32)
    Wfc = _glorot(ks[4], (D_OUT, D_IN))
    bfc = jax.random.normal(ks[5], (D_IN,), dtype=jnp.float32) * 0.01
    return {"x": x, "edge_index": edge_index, "W1": W1, "b1": b1, "W2": W2, "b2": b2, "Wfc": Wfc, "bfc": bfc}


def _gcn_conv(x, edge_index, W, b, n_nodes):
    # GCNConv (PyG semantics): add self-loops, symmetric normalization,
    # out = D^{-1/2} (A + I) D^{-1/2} X W + b
    h = x @ W
    src = edge_index[0]
    dst = edge_index[1]
    loop = jnp.arange(n_nodes, dtype=src.dtype)
    src2 = jnp.concatenate([src, loop])
    dst2 = jnp.concatenate([dst, loop])
    deg = jnp.zeros((n_nodes,), dtype=h.dtype).at[dst2].add(1.0)
    dinv = jax.lax.rsqrt(deg)
    norm = dinv[src2] * dinv[dst2]
    msgs = h[src2] * norm[:, None]
    out = jnp.zeros((n_nodes, h.shape[1]), dtype=h.dtype).at[dst2].add(msgs)
    return out + b


def reference(x, edge_index, W1, b1, W2, b2, Wfc, bfc):
    n = x.shape[0]
    h = _gcn_conv(x, edge_index, W1, b1, n)
    h = jax.nn.relu(h)
    h = _gcn_conv(h, edge_index, W2, b2, n)
    out = h @ Wfc + bfc
    return out

if __name__ == "__main__":
    import jax
    _d = setup_inputs()
    print(jax.jit(kernel)(*tuple(_d.values())))

</pallas_src>

<mosaic_0001>
#map = affine_map<(d0, d1) -> (0, 0)>
#map1 = affine_map<(d0, d1) -> (0, 0, 0)>
module attributes {stable_mosaic.version = 14 : i64} {
  func.func @_sc_degree(%arg0: i32, %arg1: i32, %arg2: memref<2560x128xi32, #tpu.memory_space<hbm>>, %arg3: memref<2x10112x16xf32, #tpu.memory_space<hbm>>, %arg4: memref<80x128xi32, #tpu.memory_space<vmem>>, %arg5: memref<128x16xf32, #tpu.memory_space<vmem>>, %arg6: memref<10112x16xf32, #tpu.memory_space<vmem_shared>>) attributes {dimension_semantics = [#tpu.dimension_semantics<core_parallel>, #tpu.dimension_semantics<subcore_parallel>], iteration_bounds = array<i64: 2, 16>, scalar_prefetch = 0 : i64, scratch_operands = 3 : i64, tpu.core_type = #tpu.core_type<sc_vector_subcore>, window_params = [{transform_indices = #map}, {transform_indices = #map1}]} {
    %mul3A = arith.constant 2 : i32
    %mul3A_0 = arith.muli %arg1, %mul3A : i32
    %add3A = arith.addi %mul3A_0, %arg0 : i32
    %mul3A_1 = arith.constant 632 : i32
    %mul3A_2 = arith.muli %arg1, %mul3A_1 : i32
    %mul3A_3 = arith.constant 80 : i32
    %mul3A_4 = arith.muli %add3A, %mul3A_3 : i32
    "tpu.region"() ({
      %run_scoped3A = tpu.sem_alloc : memref<!tpu.dma_semaphore, #tpu.memory_space<semaphore_mem>>
      %dma_start3A = arith.constant 0 : i32
      %dma_start3A_36 = tpu.memref_slice %arg2[%mul3A_4, %dma_start3A] : memref<2560x128xi32, #tpu.memory_space<hbm>> -> memref<80x128xi32, #tpu.memory_space<hbm>>
      %dma_start3A_37 = arith.constant 0 : i32
      %dma_start3A_38 = tpu.memref_slice %arg2[%mul3A_4, %dma_start3A_37] : memref<2560x128xi32, #tpu.memory_space<hbm>> -> memref<80x128xi32, #tpu.memory_space<hbm>>
      tpu.enqueue_dma source(%dma_start3A_38 : memref<80x128xi32, #tpu.memory_space<hbm>>) target(%arg4 : memref<80x128xi32, #tpu.memory_space<vmem>>) target_semaphore(%run_scoped3A : memref<!tpu.dma_semaphore, #tpu.memory_space<semaphore_mem>>)
      %dma_wait3A = arith.constant 0 : i32
      %dma_wait3A_39 = tpu.memref_slice %arg2[%mul3A_4, %dma_wait3A] : memref<2560x128xi32, #tpu.memory_space<hbm>> -> memref<80x128xi32, #tpu.memory_space<hbm>>
      %dma_wait3A_40 = arith.constant 0 : i32
      %dma_wait3A_41 = tpu.memref_slice %arg2[%mul3A_4, %dma_wait3A_40] : memref<2560x128xi32, #tpu.memory_space<hbm>> -> memref<80x128xi32, #tpu.memory_space<hbm>>
      tpu.wait_dma2 semaphore(%run_scoped3A : memref<!tpu.dma_semaphore, #tpu.memory_space<semaphore_mem>>) src(%dma_wait3A_41 : memref<80x128xi32, #tpu.memory_space<hbm>>) dst(%arg4 : memref<80x128xi32, #tpu.memory_space<vmem>>)
      tpu.yield
    }) : () -> ()
    %broadcast_in_dim3A = arith.constant 0.000000e+00 : f32
    %broadcast_in_dim3A_5 = vector.broadcast %broadcast_in_dim3A : f32 to vector<16xf32>
    %broadcast_in_dim3A_6 = arith.constant 1.000000e+00 : f32
    %broadcast_in_dim3A_7 = vector.broadcast %broadcast_in_dim3A_6 : f32 to vector<16xf32>
    %scan3A = arith.constant 0 : i32
    %scan3A_8 = arith.constant 0 : i32
    %scan3A_9 = arith.constant 128 : i32
    %scan3A_10 = arith.addi %scan3A_8, %scan3A_9 : i32
    %scan3A_11 = arith.constant 1 : i32
    scf.for %scan3A_36 = %scan3A_8 to %scan3A_10 step %scan3A_11  : i32 {
      %swap3A = arith.index_cast %scan3A_36 : i32 to index
      %swap3A_37 = arith.constant 0 : index
      %swap3A_38 = tpu.vector_load %arg5[%swap3A, %swap3A_37] {strides = array<i32>} : memref<128x16xf32, #tpu.memory_space<vmem>>, vector<1x16xf32>,
      %swap3A_39 = vector.shape_cast %swap3A_38 : vector<1x16xf32> to vector<16xf32>
      %swap3A_40 = vector.shape_cast %broadcast_in_dim3A_5 : vector<16xf32> to vector<1x16xf32>
      tpu.vector_store %arg5[%swap3A, %swap3A_37], %swap3A_40 {strides = array<i32>} : memref<128x16xf32, #tpu.memory_space<vmem>>, vector<1x16xf32>,
    }
    %scan3A_12 = arith.constant 128 : i32
    %add3A_13 = arith.constant 0 : i32
    %add3A_14 = arith.addi %mul3A_2, %add3A_13 : i32
    "tpu.region"() ({
      %run_scoped3A = tpu.sem_alloc : memref<!tpu.dma_semaphore, #tpu.memory_space<semaphore_mem>>
      %dma_start3A = arith.constant 0 : i32
      %dma_start3A_36 = arith.constant 0 : i32
      %dma_start3A_37 = tpu.memref_slice %arg5[%dma_start3A, %dma_start3A_36] : memref<128x16xf32, #tpu.memory_space<vmem>> -> memref<128x16xf32, #tpu.memory_space<vmem>>
      %dma_start3A_38 = arith.constant 0 : i32
      %dma_start3A_39 = tpu.memref_slice %arg6[%add3A_14, %dma_start3A_38] : memref<10112x16xf32, #tpu.memory_space<vmem_shared>> -> memref<128x16xf32, #tpu.memory_space<vmem_shared>>
      %dma_start3A_40 = arith.constant 0 : i32
      %dma_start3A_41 = tpu.memref_slice %arg6[%add3A_14, %dma_start3A_40] : memref<10112x16xf32, #tpu.memory_space<vmem_shared>> -> memref<128x16xf32, #tpu.memory_space<vmem_shared>>
      %dma_start3A_42 = arith.constant 0 : i32
      %dma_start3A_43 = arith.constant 0 : i32
      %dma_start3A_44 = tpu.memref_slice %arg5[%dma_start3A_42, %dma_start3A_43] : memref<128x16xf32, #tpu.memory_space<vmem>> -> memref<128x16xf32, #tpu.memory_space<vmem>>
      tpu.enqueue_dma source(%dma_start3A_44 : memref<128x16xf32, #tpu.memory_space<vmem>>) target(%dma_start3A_41 : memref<128x16xf32, #tpu.memory_space<vmem_shared>>) target_semaphore(%run_scoped3A : memref<!tpu.dma_semaphore, #tpu.memory_space<semaphore_mem>>)
      %dma_wait3A = arith.constant 0 : i32
      %dma_wait3A_45 = arith.constant 0 : i32
      %dma_wait3A_46 = tpu.memref_slice %arg5[%dma_wait3A, %dma_wait3A_45] : memref<128x16xf32, #tpu.memory_space<vmem>> -> memref<128x16xf32, #tpu.memory_space<vmem>>
      %dma_wait3A_47 = arith.constant 0 : i32
      %dma_wait3A_48 = tpu.memref_slice %arg6[%add3A_14, %dma_wait3A_47] : memref<10112x16xf32, #tpu.memory_space<vmem_shared>> -> memref<128x16xf32, #tpu.memory_space<vmem_shared>>
      %dma_wait3A_49 = arith.constant 0 : i32
      %dma_wait3A_50 = tpu.memref_slice %arg6[%add3A_14, %dma_wait3A_49] : memref<10112x16xf32, #tpu.memory_space<vmem_shared>> -> memref<128x16xf32, #tpu.memory_space<vmem_shared>>
      %dma_wait3A_51 = arith.constant 0 : i32
      %dma_wait3A_52 = arith.constant 0 : i32
      %dma_wait3A_53 = tpu.memref_slice %arg5[%dma_wait3A_51, %dma_wait3A_52] : memref<128x16xf32, #tpu.memory_space<vmem>> -> memref<128x16xf32, #tpu.memory_space<vmem>>
      tpu.wait_dma2 semaphore(%run_scoped3A : memref<!tpu.dma_semaphore, #tpu.memory_space<semaphore_mem>>) src(%dma_wait3A_53 : memref<128x16xf32, #tpu.memory_space<vmem>>) dst(%dma_wait3A_50 : memref<128x16xf32, #tpu.memory_space<vmem_shared>>)
      tpu.yield
    }) : () -> ()
    %add3A_15 = arith.constant 128 : i32
    %add3A_16 = arith.addi %mul3A_2, %add3A_15 : i32
    "tpu.region"() ({
      %run_scoped3A = tpu.sem_alloc : memref<!tpu.dma_semaphore, #tpu.memory_space<semaphore_mem>>
      %dma_start3A = arith.constant 0 : i32
      %dma_start3A_36 = arith.constant 0 : i32
      %dma_start3A_37 = tpu.memref_slice %arg5[%dma_start3A, %dma_start3A_36] : memref<128x16xf32, #tpu.memory_space<vmem>> -> memref<128x16xf32, #tpu.memory_space<vmem>>
      %dma_start3A_38 = arith.constant 0 : i32
      %dma_start3A_39 = tpu.memref_slice %arg6[%add3A_16, %dma_start3A_38] : memref<10112x16xf32, #tpu.memory_space<vmem_shared>> -> memref<128x16xf32, #tpu.memory_space<vmem_shared>>
      %dma_start3A_40 = arith.constant 0 : i32
      %dma_start3A_41 = tpu.memref_slice %arg6[%add3A_16, %dma_start3A_40] : memref<10112x16xf32, #tpu.memory_space<vmem_shared>> -> memref<128x16xf32, #tpu.memory_space<vmem_shared>>
      %dma_start3A_42 = arith.constant 0 : i32
      %dma_start3A_43 = arith.constant 0 : i32
      %dma_start3A_44 = tpu.memref_slice %arg5[%dma_start3A_42, %dma_start3A_43] : memref<128x16xf32, #tpu.memory_space<vmem>> -> memref<128x16xf32, #tpu.memory_space<vmem>>
      tpu.enqueue_dma source(%dma_start3A_44 : memref<128x16xf32, #tpu.memory_space<vmem>>) target(%dma_start3A_41 : memref<128x16xf32, #tpu.memory_space<vmem_shared>>) target_semaphore(%run_scoped3A : memref<!tpu.dma_semaphore, #tpu.memory_space<semaphore_mem>>)
      %dma_wait3A = arith.constant 0 : i32
      %dma_wait3A_45 = arith.constant 0 : i32
      %dma_wait3A_46 = tpu.memref_slice %arg5[%dma_wait3A, %dma_wait3A_45] : memref<128x16xf32, #tpu.memory_space<vmem>> -> memref<128x16xf32, #tpu.memory_space<vmem>>
      %dma_wait3A_47 = arith.constant 0 : i32
      %dma_wait3A_48 = tpu.memref_slice %arg6[%add3A_16, %dma_wait3A_47] : memref<10112x16xf32, #tpu.memory_space<vmem_shared>> -> memref<128x16xf32, #tpu.memory_space<vmem_shared>>
      %dma_wait3A_49 = arith.constant 0 : i32
      %dma_wait3A_50 = tpu.memref_slice %arg6[%add3A_16, %dma_wait3A_49] : memref<10112x16xf32, #tpu.memory_space<vmem_shared>> -> memref<128x16xf32, #tpu.memory_space<vmem_shared>>
      %dma_wait3A_51 = arith.constant 0 : i32
      %dma_wait3A_52 = arith.constant 0 : i32
      %dma_wait3A_53 = tpu.memref_slice %arg5[%dma_wait3A_51, %dma_wait3A_52] : memref<128x16xf32, #tpu.memory_space<vmem>> -> memref<128x16xf32, #tpu.memory_space<vmem>>
      tpu.wait_dma2 semaphore(%run_scoped3A : memref<!tpu.dma_semaphore, #tpu.memory_space<semaphore_mem>>) src(%dma_wait3A_53 : memref<128x16xf32, #tpu.memory_space<vmem>>) dst(%dma_wait3A_50 : memref<128x16xf32, #tpu.memory_space<vmem_shared>>)
      tpu.yield
    }) : () -> ()
    %add3A_17 = arith.constant 256 : i32
    %add3A_18 = arith.addi %mul3A_2, %add3A_17 : i32
    "tpu.region"() ({
      %run_scoped3A = tpu.sem_alloc : memref<!tpu.dma_semaphore, #tpu.memory_space<semaphore_mem>>
      %dma_start3A = arith.constant 0 : i32
      %dma_start3A_36 = arith.constant 0 : i32
      %dma_start3A_37 = tpu.memref_slice %arg5[%dma_start3A, %dma_start3A_36] : memref<128x16xf32, #tpu.memory_space<vmem>> -> memref<128x16xf32, #tpu.memory_space<vmem>>
      %dma_start3A_38 = arith.constant 0 : i32
      %dma_start3A_39 = tpu.memref_slice %arg6[%add3A_18, %dma_start3A_38] : memref<10112x16xf32, #tpu.memory_space<vmem_shared>> -> memref<128x16xf32, #tpu.memory_space<vmem_shared>>
      %dma_start3A_40 = arith.constant 0 : i32
      %dma_start3A_41 = tpu.memref_slice %arg6[%add3A_18, %dma_start3A_40] : memref<10112x16xf32, #tpu.memory_space<vmem_shared>> -> memref<128x16xf32, #tpu.memory_space<vmem_shared>>
      %dma_start3A_42 = arith.constant 0 : i32
      %dma_start3A_43 = arith.constant 0 : i32
      %dma_start3A_44 = tpu.memref_slice %arg5[%dma_start3A_42, %dma_start3A_43] : memref<128x16xf32, #tpu.memory_space<vmem>> -> memref<128x16xf32, #tpu.memory_space<vmem>>
      tpu.enqueue_dma source(%dma_start3A_44 : memref<128x16xf32, #tpu.memory_space<vmem>>) target(%dma_start3A_41 : memref<128x16xf32, #tpu.memory_space<vmem_shared>>) target_semaphore(%run_scoped3A : memref<!tpu.dma_semaphore, #tpu.memory_space<semaphore_mem>>)
      %dma_wait3A = arith.constant 0 : i32
      %dma_wait3A_45 = arith.constant 0 : i32
      %dma_wait3A_46 = tpu.memref_slice %arg5[%dma_wait3A, %dma_wait3A_45] : memref<128x16xf32, #tpu.memory_space<vmem>> -> memref<128x16xf32, #tpu.memory_space<vmem>>
      %dma_wait3A_47 = arith.constant 0 : i32
      %dma_wait3A_48 = tpu.memref_slice %arg6[%add3A_18, %dma_wait3A_47] : memref<10112x16xf32, #tpu.memory_space<vmem_shared>> -> memref<128x16xf32, #tpu.memory_space<vmem_shared>>
      %dma_wait3A_49 = arith.constant 0 : i32
      %dma_wait3A_50 = tpu.memref_slice %arg6[%add3A_18, %dma_wait3A_49] : memref<10112x16xf32, #tpu.memory_space<vmem_shared>> -> memref<128x16xf32, #tpu.memory_space<vmem_shared>>
      %dma_wait3A_51 = arith.constant 0 : i32
      %dma_wait3A_52 = arith.constant 0 : i32
      %dma_wait3A_53 = tpu.memref_slice %arg5[%dma_wait3A_51, %dma_wait3A_52] : memref<128x16xf32, #tpu.memory_space<vmem>> -> memref<128x16xf32, #tpu.memory_space<vmem>>
      tpu.wait_dma2 semaphore(%run_scoped3A : memref<!tpu.dma_semaphore, #tpu.memory_space<semaphore_mem>>) src(%dma_wait3A_53 : memref<128x16xf32, #tpu.memory_space<vmem>>) dst(%dma_wait3A_50 : memref<128x16xf32, #tpu.memory_space<vmem_shared>>)
      tpu.yield
    }) : () -> ()
    %add3A_19 = arith.constant 384 : i32
    %add3A_20 = arith.addi %mul3A_2, %add3A_19 : i32
    "tpu.region"() ({
      %run_scoped3A = tpu.sem_alloc : memref<!tpu.dma_semaphore, #tpu.memory_space<semaphore_mem>>
      %dma_start3A = arith.constant 0 : i32
      %dma_start3A_36 = arith.constant 0 : i32
      %dma_start3A_37 = tpu.memref_slice %arg5[%dma_start3A, %dma_start3A_36] : memref<128x16xf32, #tpu.memory_space<vmem>> -> memref<128x16xf32, #tpu.memory_space<vmem>>
      %dma_start3A_38 = arith.constant 0 : i32
      %dma_start3A_39 = tpu.memref_slice %arg6[%add3A_20, %dma_start3A_38] : memref<10112x16xf32, #tpu.memory_space<vmem_shared>> -> memref<128x16xf32, #tpu.memory_space<vmem_shared>>
      %dma_start3A_40 = arith.constant 0 : i32
      %dma_start3A_41 = tpu.memref_slice %arg6[%add3A_20, %dma_start3A_40] : memref<10112x16xf32, #tpu.memory_space<vmem_shared>> -> memref<128x16xf32, #tpu.memory_space<vmem_shared>>
      %dma_start3A_42 = arith.constant 0 : i32
      %dma_start3A_43 = arith.constant 0 : i32
      %dma_start3A_44 = tpu.memref_slice %arg5[%dma_start3A_42, %dma_start3A_43] : memref<128x16xf32, #tpu.memory_space<vmem>> -> memref<128x16xf32, #tpu.memory_space<vmem>>
      tpu.enqueue_dma source(%dma_start3A_44 : memref<128x16xf32, #tpu.memory_space<vmem>>) target(%dma_start3A_41 : memref<128x16xf32, #tpu.memory_space<vmem_shared>>) target_semaphore(%run_scoped3A : memref<!tpu.dma_semaphore, #tpu.memory_space<semaphore_mem>>)
      %dma_wait3A = arith.constant 0 : i32
      %dma_wait3A_45 = arith.constant 0 : i32
      %dma_wait3A_46 = tpu.memref_slice %arg5[%dma_wait3A, %dma_wait3A_45] : memref<128x16xf32, #tpu.memory_space<vmem>> -> memref<128x16xf32, #tpu.memory_space<vmem>>
      %dma_wait3A_47 = arith.constant 0 : i32
      %dma_wait3A_48 = tpu.memref_slice %arg6[%add3A_20, %dma_wait3A_47] : memref<10112x16xf32, #tpu.memory_space<vmem_shared>> -> memref<128x16xf32, #tpu.memory_space<vmem_shared>>
      %dma_wait3A_49 = arith.constant 0 : i32
      %dma_wait3A_50 = tpu.memref_slice %arg6[%add3A_20, %dma_wait3A_49] : memref<10112x16xf32, #tpu.memory_space<vmem_shared>> -> memref<128x16xf32, #tpu.memory_space<vmem_shared>>
      %dma_wait3A_51 = arith.constant 0 : i32
      %dma_wait3A_52 = arith.constant 0 : i32
      %dma_wait3A_53 = tpu.memref_slice %arg5[%dma_wait3A_51, %dma_wait3A_52] : memref<128x16xf32, #tpu.memory_space<vmem>> -> memref<128x16xf32, #tpu.memory_space<vmem>>
      tpu.wait_dma2 semaphore(%run_scoped3A : memref<!tpu.dma_semaphore, #tpu.memory_space<semaphore_mem>>) src(%dma_wait3A_53 : memref<128x16xf32, #tpu.memory_space<vmem>>) dst(%dma_wait3A_50 : memref<128x16xf32, #tpu.memory_space<vmem_shared>>)
      tpu.yield
    }) : () -> ()
    %add3A_21 = arith.constant 512 : i32
    %add3A_22 = arith.addi %mul3A_2, %add3A_21 : i32
    "tpu.region"() ({
      %run_scoped3A = tpu.sem_alloc : memref<!tpu.dma_semaphore, #tpu.memory_space<semaphore_mem>>
      %dma_start3A = arith.constant 0 : i32
      %dma_start3A_36 = arith.constant 0 : i32
      %dma_start3A_37 = tpu.memref_slice %arg5[%dma_start3A, %dma_start3A_36] : memref<128x16xf32, #tpu.memory_space<vmem>> -> memref<120x16xf32, #tpu.memory_space<vmem>>
      %dma_start3A_38 = arith.constant 0 : i32
      %dma_start3A_39 = tpu.memref_slice %arg6[%add3A_22, %dma_start3A_38] : memref<10112x16xf32, #tpu.memory_space<vmem_shared>> -> memref<120x16xf32, #tpu.memory_space<vmem_shared>>
      %dma_start3A_40 = arith.constant 0 : i32
      %dma_start3A_41 = tpu.memref_slice %arg6[%add3A_22, %dma_start3A_40] : memref<10112x16xf32, #tpu.memory_space<vmem_shared>> -> memref<120x16xf32, #tpu.memory_space<vmem_shared>>
      %dma_start3A_42 = arith.constant 0 : i32
      %dma_start3A_43 = arith.constant 0 : i32
      %dma_start3A_44 = tpu.memref_slice %arg5[%dma_start3A_42, %dma_start3A_43] : memref<128x16xf32, #tpu.memory_space<vmem>> -> memref<120x16xf32, #tpu.memory_space<vmem>>
      tpu.enqueue_dma source(%dma_start3A_44 : memref<120x16xf32, #tpu.memory_space<vmem>>) target(%dma_start3A_41 : memref<120x16xf32, #tpu.memory_space<vmem_shared>>) target_semaphore(%run_scoped3A : memref<!tpu.dma_semaphore, #tpu.memory_space<semaphore_mem>>)
      %dma_wait3A = arith.constant 0 : i32
      %dma_wait3A_45 = arith.constant 0 : i32
      %dma_wait3A_46 = tpu.memref_slice %arg5[%dma_wait3A, %dma_wait3A_45] : memref<128x16xf32, #tpu.memory_space<vmem>> -> memref<120x16xf32, #tpu.memory_space<vmem>>
      %dma_wait3A_47 = arith.constant 0 : i32
      %dma_wait3A_48 = tpu.memref_slice %arg6[%add3A_22, %dma_wait3A_47] : memref<10112x16xf32, #tpu.memory_space<vmem_shared>> -> memref<120x16xf32, #tpu.memory_space<vmem_shared>>
      %dma_wait3A_49 = arith.constant 0 : i32
      %dma_wait3A_50 = tpu.memref_slice %arg6[%add3A_22, %dma_wait3A_49] : memref<10112x16xf32, #tpu.memory_space<vmem_shared>> -> memref<120x16xf32, #tpu.memory_space<vmem_shared>>
      %dma_wait3A_51 = arith.constant 0 : i32
      %dma_wait3A_52 = arith.constant 0 : i32
      %dma_wait3A_53 = tpu.memref_slice %arg5[%dma_wait3A_51, %dma_wait3A_52] : memref<128x16xf32, #tpu.memory_space<vmem>> -> memref<120x16xf32, #tpu.memory_space<vmem>>
      tpu.wait_dma2 semaphore(%run_scoped3A : memref<!tpu.dma_semaphore, #tpu.memory_space<semaphore_mem>>) src(%dma_wait3A_53 : memref<120x16xf32, #tpu.memory_space<vmem>>) dst(%dma_wait3A_50 : memref<120x16xf32, #tpu.memory_space<vmem_shared>>)
      tpu.yield
    }) : () -> ()
    %scan3A_23 = arith.constant 0 : i32
    %scan3A_24 = arith.constant 0 : i32
    %scan3A_25 = arith.constant 128 : i32
    %scan3A_26 = arith.addi %scan3A_24, %scan3A_25 : i32
    %scan3A_27 = arith.constant 1 : i32
    scf.for %scan3A_36 = %scan3A_24 to %scan3A_26 step %scan3A_27  : i32 {
      %swap3A = arith.index_cast %scan3A_36 : i32 to index
      %swap3A_37 = arith.constant 0 : index
      %swap3A_38 = tpu.vector_load %arg5[%swap3A, %swap3A_37] {strides = array<i32>} : memref<128x16xf32, #tpu.memory_space<vmem>>, vector<1x16xf32>,
      %swap3A_39 = vector.shape_cast %swap3A_38 : vector<1x16xf32> to vector<16xf32>
      %swap3A_40 = vector.shape_cast %broadcast_in_dim3A_7 : vector<16xf32> to vector<1x16xf32>
      tpu.vector_store %arg5[%swap3A, %swap3A_37], %swap3A_40 {strides = array<i32>} : memref<128x16xf32, #tpu.memory_space<vmem>>, vector<1x16xf32>,
    }
    %scan3A_28 = arith.constant 128 : i32
    %barrier3A = arith.constant 0 : index
    tpu.barrier barrier_id(%barrier3A)
    %scan3A_29 = arith.constant 0 : i32
    %scan3A_30 = arith.constant 0 : i32
    %scan3A_31 = arith.constant 80 : i32
    %scan3A_32 = arith.addi %scan3A_30, %scan3A_31 : i32
    %scan3A_33 = arith.constant 1 : i32
    scf.for %scan3A_36 = %scan3A_30 to %scan3A_32 step %scan3A_33  : i32 {
      "tpu.region"() ({
        %run_scoped3A = tpu.sem_alloc : memref<!tpu.dma_semaphore, #tpu.memory_space<semaphore_mem>>
        %dma_start3A = arith.constant 0 : i32
        %dma_start3A_37 = tpu.memref_slice %arg4[%scan3A_36, %dma_start3A] : memref<80x128xi32, #tpu.memory_space<vmem>> -> memref<1x128xi32, #tpu.memory_space<vmem>>
        %dma_start3A_38 = tpu.memref_squeeze %dma_start3A_37 : memref<1x128xi32, #tpu.memory_space<vmem>> -> memref<128xi32, #tpu.memory_space<vmem>>
        %dma_start3A_39 = arith.constant 0 : i32
        %dma_start3A_40 = arith.constant 0 : i32
        %dma_start3A_41 = tpu.memref_slice %arg6[%dma_start3A_39, %dma_start3A_40] : memref<10112x16xf32, #tpu.memory_space<vmem_shared>> -> memref<10112x16xf32, #tpu.memory_space<vmem_shared>>
        tpu.enqueue_indirect_dma source(%arg5 : memref<128x16xf32, #tpu.memory_space<vmem>>) target(%dma_start3A_41 : memref<10112x16xf32, #tpu.memory_space<vmem_shared>>) offsets(%dma_start3A_38 : memref<128xi32, #tpu.memory_space<vmem>>) semaphore(%run_scoped3A : memref<!tpu.dma_semaphore, #tpu.memory_space<semaphore_mem>>) {add = true}
        %dma_wait3A = arith.constant 0 : i32
        %dma_wait3A_42 = tpu.memref_slice %arg4[%scan3A_36, %dma_wait3A] : memref<80x128xi32, #tpu.memory_space<vmem>> -> memref<1x128xi32, #tpu.memory_space<vmem>>
        %dma_wait3A_43 = tpu.memref_squeeze %dma_wait3A_42 : memref<1x128xi32, #tpu.memory_space<vmem>> -> memref<128xi32, #tpu.memory_space<vmem>>
        %dma_wait3A_44 = arith.constant 0 : i32
        %dma_wait3A_45 = arith.constant 0 : i32
        %dma_wait3A_46 = tpu.memref_slice %arg6[%dma_wait3A_44, %dma_wait3A_45] : memref<10112x16xf32, #tpu.memory_space<vmem_shared>> -> memref<10112x16xf32, #tpu.memory_space<vmem_shared>>
        tpu.wait_indirect_dma semaphore(%run_scoped3A : memref<!tpu.dma_semaphore, #tpu.memory_space<semaphore_mem>>) src(%arg5 : memref<128x16xf32, #tpu.memory_space<vmem>>) dst(%dma_wait3A_46 : memref<10112x16xf32, #tpu.memory_space<vmem_shared>>)
        tpu.yield
      }) : () -> ()
    }
    %scan3A_34 = arith.constant 80 : i32
    %barrier3A_35 = arith.constant 0 : index
    tpu.barrier barrier_id(%barrier3A_35)
    "tpu.region"() ({
      %run_scoped3A = tpu.sem_alloc : memref<!tpu.dma_semaphore, #tpu.memory_space<semaphore_mem>>
      %dma_start3A = arith.constant 0 : i32
      %dma_start3A_36 = tpu.memref_slice %arg3[%arg0, %mul3A_2, %dma_start3A] : memref<2x10112x16xf32, #tpu.memory_space<hbm>> -> memref<1x632x16xf32, #tpu.memory_space<hbm>>
      %dma_start3A_37 = tpu.memref_squeeze %dma_start3A_36 : memref<1x632x16xf32, #tpu.memory_space<hbm>> -> memref<632x16xf32, #tpu.memory_space<hbm>>
      %dma_start3A_38 = arith.constant 0 : i32
      %dma_start3A_39 = tpu.memref_slice %arg6[%mul3A_2, %dma_start3A_38] : memref<10112x16xf32, #tpu.memory_space<vmem_shared>> -> memref<632x16xf32, #tpu.memory_space<vmem_shared>>
      tpu.enqueue_dma source(%dma_start3A_39 : memref<632x16xf32, #tpu.memory_space<vmem_shared>>) target(%dma_start3A_37 : memref<632x16xf32, #tpu.memory_space<hbm>>) target_semaphore(%run_scoped3A : memref<!tpu.dma_semaphore, #tpu.memory_space<semaphore_mem>>)
      %dma_wait3A = arith.constant 0 : i32
      %dma_wait3A_40 = tpu.memref_slice %arg3[%arg0, %mul3A_2, %dma_wait3A] : memref<2x10112x16xf32, #tpu.memory_space<hbm>> -> memref<1x632x16xf32, #tpu.memory_space<hbm>>
      %dma_wait3A_41 = tpu.memref_squeeze %dma_wait3A_40 : memref<1x632x16xf32, #tpu.memory_space<hbm>> -> memref<632x16xf32, #tpu.memory_space<hbm>>
      %dma_wait3A_42 = arith.constant 0 : i32
      %dma_wait3A_43 = tpu.memref_slice %arg6[%mul3A_2, %dma_wait3A_42] : memref<10112x16xf32, #tpu.memory_space<vmem_shared>> -> memref<632x16xf32, #tpu.memory_space<vmem_shared>>
      tpu.wait_dma2 semaphore(%run_scoped3A : memref<!tpu.dma_semaphore, #tpu.memory_space<semaphore_mem>>) src(%dma_wait3A_43 : memref<632x16xf32, #tpu.memory_space<vmem_shared>>) dst(%dma_wait3A_41 : memref<632x16xf32, #tpu.memory_space<hbm>>)
      tpu.yield
    }) : () -> ()
    return
  }
}

#map = affine_map<(d0, d1) -> (0, 0)>
#map1 = affine_map<(d0, d1) -> (0, 0, 0)>
module attributes {stable_mosaic.version = 14 : i64} {
  func.func @_sc_scatter(%arg0: i32, %arg1: i32, %arg2: memref<10000x128xf32, #tpu.memory_space<hbm>>, %arg3: memref<2560x128xi32, #tpu.memory_space<hbm>>, %arg4: memref<2560x128xi32, #tpu.memory_space<hbm>>, %arg5: memref<2x10112x128xf32, #tpu.memory_space<hbm>>, %arg6: memref<40x128xi32, #tpu.memory_space<vmem>>, %arg7: memref<40x128xi32, #tpu.memory_space<vmem>>, %arg8: memref<2x128x128xf32, #tpu.memory_space<vmem>>, %arg9: memref<10112x128xf32, #tpu.memory_space<vmem_shared>>, %arg10: memref<!tpu.dma_semaphore, #tpu.memory_space<semaphore_mem>>) attributes {dimension_semantics = [#tpu.dimension_semantics<core_parallel>, #tpu.dimension_semantics<subcore_parallel>], iteration_bounds = array<i64: 2, 16>, scalar_prefetch = 0 : i64, scratch_operands = 5 : i64, tpu.core_type = #tpu.core_type<sc_vector_subcore>, window_params = [{transform_indices = #map}, {transform_indices = #map}, {transform_indices = #map}, {transform_indices = #map1}]} {
    %mul3A = arith.constant 2 : i32
    %mul3A_0 = arith.muli %arg1, %mul3A : i32
    %add3A = arith.addi %mul3A_0, %arg0 : i32
    %mul3A_1 = arith.constant 632 : i32
    %mul3A_2 = arith.muli %arg1, %mul3A_1 : i32
    %broadcast_in_dim3A = arith.constant 0.000000e+00 : f32
    %broadcast_in_dim3A_3 = vector.broadcast %broadcast_in_dim3A : f32 to vector<16xf32>
    %scan3A = arith.constant 0 : i32
    %scan3A_4 = arith.constant 0 : i32
    %scan3A_5 = arith.constant 1024 : i32
    %scan3A_6 = arith.addi %scan3A_4, %scan3A_5 : i32
    %scan3A_7 = arith.constant 1 : i32
    scf.for %scan3A_67 = %scan3A_4 to %scan3A_6 step %scan3A_7  : i32 {
      %jit3A = arith.constant 8 : i32
      %div3A = arith.divsi %scan3A_67, %jit3A : i32
      %sign3A = arith.constant 0 : i32
      %sign3A_68 = arith.cmpi sgt, %scan3A_67, %sign3A : i32
      %sign3A_69 = arith.extui %sign3A_68 : i1 to i32
      %sign3A_70 = arith.constant 0 : i32
      %sign3A_71 = arith.cmpi slt, %scan3A_67, %sign3A_70 : i32
      %sign3A_72 = arith.extui %sign3A_71 : i1 to i32
      %sign3A_73 = arith.subi %sign3A_69, %sign3A_72 : i32
      %sign3A_74 = arith.constant 0 : i32
      %sign3A_75 = arith.cmpi sgt, %jit3A, %sign3A_74 : i32
      %sign3A_76 = arith.extui %sign3A_75 : i1 to i32
      %sign3A_77 = arith.constant 0 : i32
      %sign3A_78 = arith.cmpi slt, %jit3A, %sign3A_77 : i32
      %sign3A_79 = arith.extui %sign3A_78 : i1 to i32
      %sign3A_80 = arith.subi %sign3A_76, %sign3A_79 : i32
      %ne3A = arith.cmpi ne, %sign3A_73, %sign3A_80 : i32
      %rem3A = arith.remsi %scan3A_67, %jit3A : i32
      %ne3A_81 = arith.constant 0 : i32
      %ne3A_82 = arith.cmpi ne, %rem3A, %ne3A_81 : i32
      %and3A = arith.andi %ne3A, %ne3A_82 : i1
      %sub3A = arith.constant 1 : i32
      %sub3A_83 = arith.subi %div3A, %sub3A : i32
      %select_n3A = arith.select %and3A, %sub3A_83, %div3A : i32
      %jit3A_84 = arith.constant 8 : i32
      %eq3A = arith.constant 0 : i32
      %eq3A_85 = arith.cmpi eq, %jit3A_84, %eq3A : i32
      %jit3A_86 = arith.constant 1 : i32
      %select_n3A_87 = arith.select %eq3A_85, %jit3A_86, %jit3A_84 : i32
      %rem3A_88 = arith.remsi %scan3A_67, %select_n3A_87 : i32
      %ne3A_89 = arith.constant 0 : i32
      %ne3A_90 = arith.cmpi ne, %rem3A_88, %ne3A_89 : i32
      %lt3A = arith.constant 0 : i32
      %lt3A_91 = arith.cmpi slt, %rem3A_88, %lt3A : i32
      %lt3A_92 = arith.constant 0 : i32
      %lt3A_93 = arith.cmpi slt, %select_n3A_87, %lt3A_92 : i32
      %ne3A_94 = arith.xori %lt3A_91, %lt3A_93 : i1
      %and3A_95 = arith.andi %ne3A_94, %ne3A_90 : i1
      %add3A_96 = arith.addi %rem3A_88, %select_n3A_87 : i32
      %select_n3A_97 = arith.select %and3A_95, %add3A_96, %rem3A_88 : i32
      %mul3A_98 = arith.constant 16 : i32
      %mul3A_99 = arith.muli %select_n3A_97, %mul3A_98 : i32
      %swap3A = arith.constant 0 : i32
      %swap3A_100 = arith.index_cast %swap3A : i32 to index
      %swap3A_101 = arith.index_cast %select_n3A : i32 to index
      %swap3A_102 = arith.index_cast %mul3A_99 : i32 to index
      %swap3A_103 = tpu.vector_load %arg8[%swap3A_100, %swap3A_101, %swap3A_102] {strides = array<i32>} : memref<2x128x128xf32, #tpu.memory_space<vmem>>, vector<1x1x16xf32>,
      %swap3A_104 = vector.shape_cast %swap3A_103 : vector<1x1x16xf32> to vector<16xf32>
      %swap3A_105 = vector.shape_cast %broadcast_in_dim3A_3 : vector<16xf32> to vector<1x1x16xf32>
      tpu.vector_store %arg8[%swap3A_100, %swap3A_101, %swap3A_102], %swap3A_105 {strides = array<i32>} : memref<2x128x128xf32, #tpu.memory_space<vmem>>, vector<1x1x16xf32>,
    }
    %scan3A_8 = arith.constant 1024 : i32
    %add3A_9 = arith.constant 0 : i32
    %add3A_10 = arith.addi %mul3A_2, %add3A_9 : i32
    %run_scoped3A = arith.constant 0 : i32
    "tpu.region"() ({
      %run_scoped3A_67 = tpu.sem_alloc : memref<!tpu.dma_semaphore, #tpu.memory_space<semaphore_mem>>
      %dma_start3A_68 = arith.constant 0 : i32
      %dma_start3A_69 = arith.constant 0 : i32
      %dma_start3A_70 = tpu.memref_slice %arg8[%run_scoped3A, %dma_start3A_68, %dma_start3A_69] : memref<2x128x128xf32, #tpu.memory_space<vmem>> -> memref<1x128x128xf32, #tpu.memory_space<vmem>>
      %dma_start3A_71 = tpu.memref_squeeze %dma_start3A_70 : memref<1x128x128xf32, #tpu.memory_space<vmem>> -> memref<128x128xf32, #tpu.memory_space<vmem>>
      %dma_start3A_72 = arith.constant 0 : i32
      %dma_start3A_73 = tpu.memref_slice %arg9[%add3A_10, %dma_start3A_72] : memref<10112x128xf32, #tpu.memory_space<vmem_shared>> -> memref<128x128xf32, #tpu.memory_space<vmem_shared>>
      %dma_start3A_74 = arith.constant 0 : i32
      %dma_start3A_75 = tpu.memref_slice %arg9[%add3A_10, %dma_start3A_74] : memref<10112x128xf32, #tpu.memory_space<vmem_shared>> -> memref<128x128xf32, #tpu.memory_space<vmem_shared>>
      %dma_start3A_76 = arith.constant 0 : i32
      %dma_start3A_77 = arith.constant 0 : i32
      %dma_start3A_78 = tpu.memref_slice %arg8[%run_scoped3A, %dma_start3A_76, %dma_start3A_77] : memref<2x128x128xf32, #tpu.memory_space<vmem>> -> memref<1x128x128xf32, #tpu.memory_space<vmem>>
      %dma_start3A_79 = tpu.memref_squeeze %dma_start3A_78 : memref<1x128x128xf32, #tpu.memory_space<vmem>> -> memref<128x128xf32, #tpu.memory_space<vmem>>
      tpu.enqueue_dma source(%dma_start3A_79 : memref<128x128xf32, #tpu.memory_space<vmem>>) target(%dma_start3A_75 : memref<128x128xf32, #tpu.memory_space<vmem_shared>>) target_semaphore(%run_scoped3A_67 : memref<!tpu.dma_semaphore, #tpu.memory_space<semaphore_mem>>)
      %dma_wait3A = arith.constant 0 : i32
      %dma_wait3A_80 = arith.constant 0 : i32
      %dma_wait3A_81 = tpu.memref_slice %arg8[%run_scoped3A, %dma_wait3A, %dma_wait3A_80] : memref<2x128x128xf32, #tpu.memory_space<vmem>> -> memref<1x128x128xf32, #tpu.memory_space<vmem>>
      %dma_wait3A_82 = tpu.memref_squeeze %dma_wait3A_81 : memref<1x128x128xf32, #tpu.memory_space<vmem>> -> memref<128x128xf32, #tpu.memory_space<vmem>>
      %dma_wait3A_83 = arith.constant 0 : i32
      %dma_wait3A_84 = tpu.memref_slice %arg9[%add3A_10, %dma_wait3A_83] : memref<10112x128xf32, #tpu.memory_space<vmem_shared>> -> memref<128x128xf32, #tpu.memory_space<vmem_shared>>
      %dma_wait3A_85 = arith.constant 0 : i32
      %dma_wait3A_86 = tpu.memref_slice %arg9[%add3A_10, %dma_wait3A_85] : memref<10112x128xf32, #tpu.memory_space<vmem_shared>> -> memref<128x128xf32, #tpu.memory_space<vmem_shared>>
      %dma_wait3A_87 = arith.constant 0 : i32
      %dma_wait3A_88 = arith.constant 0 : i32
      %dma_wait3A_89 = tpu.memref_slice %arg8[%run_scoped3A, %dma_wait3A_87, %dma_wait3A_88] : memref<2x128x128xf32, #tpu.memory_space<vmem>> -> memref<1x128x128xf32, #tpu.memory_space<vmem>>
      %dma_wait3A_90 = tpu.memref_squeeze %dma_wait3A_89 : memref<1x128x128xf32, #tpu.memory_space<vmem>> -> memref<128x128xf32, #tpu.memory_space<vmem>>
      tpu.wait_dma2 semaphore(%run_scoped3A_67 : memref<!tpu.dma_semaphore, #tpu.memory_space<semaphore_mem>>) src(%dma_wait3A_90 : memref<128x128xf32, #tpu.memory_space<vmem>>) dst(%dma_wait3A_86 : memref<128x128xf32, #tpu.memory_space<vmem_shared>>)
      tpu.yield
    }) : () -> ()
    %add3A_11 = arith.constant 128 : i32
    %add3A_12 = arith.addi %mul3A_2, %add3A_11 : i32
    %run_scoped3A_13 = arith.constant 0 : i32
    "tpu.region"() ({
      %run_scoped3A_67 = tpu.sem_alloc : memref<!tpu.dma_semaphore, #tpu.memory_space<semaphore_mem>>
      %dma_start3A_68 = arith.constant 0 : i32
      %dma_start3A_69 = arith.constant 0 : i32
      %dma_start3A_70 = tpu.memref_slice %arg8[%run_scoped3A_13, %dma_start3A_68, %dma_start3A_69] : memref<2x128x128xf32, #tpu.memory_space<vmem>> -> memref<1x128x128xf32, #tpu.memory_space<vmem>>
      %dma_start3A_71 = tpu.memref_squeeze %dma_start3A_70 : memref<1x128x128xf32, #tpu.memory_space<vmem>> -> memref<128x128xf32, #tpu.memory_space<vmem>>
      %dma_start3A_72 = arith.constant 0 : i32
      %dma_start3A_73 = tpu.memref_slice %arg9[%add3A_12, %dma_start3A_72] : memref<10112x128xf32, #tpu.memory_space<vmem_shared>> -> memref<128x128xf32, #tpu.memory_space<vmem_shared>>
      %dma_start3A_74 = arith.constant 0 : i32
      %dma_start3A_75 = tpu.memref_slice %arg9[%add3A_12, %dma_start3A_74] : memref<10112x128xf32, #tpu.memory_space<vmem_shared>> -> memref<128x128xf32, #tpu.memory_space<vmem_shared>>
      %dma_start3A_76 = arith.constant 0 : i32
      %dma_start3A_77 = arith.constant 0 : i32
      %dma_start3A_78 = tpu.memref_slice %arg8[%run_scoped3A_13, %dma_start3A_76, %dma_start3A_77] : memref<2x128x128xf32, #tpu.memory_space<vmem>> -> memref<1x128x128xf32, #tpu.memory_space<vmem>>
      %dma_start3A_79 = tpu.memref_squeeze %dma_start3A_78 : memref<1x128x128xf32, #tpu.memory_space<vmem>> -> memref<128x128xf32, #tpu.memory_space<vmem>>
      tpu.enqueue_dma source(%dma_start3A_79 : memref<128x128xf32, #tpu.memory_space<vmem>>) target(%dma_start3A_75 : memref<128x128xf32, #tpu.memory_space<vmem_shared>>) target_semaphore(%run_scoped3A_67 : memref<!tpu.dma_semaphore, #tpu.memory_space<semaphore_mem>>)
      %dma_wait3A = arith.constant 0 : i32
      %dma_wait3A_80 = arith.constant 0 : i32
      %dma_wait3A_81 = tpu.memref_slice %arg8[%run_scoped3A_13, %dma_wait3A, %dma_wait3A_80] : memref<2x128x128xf32, #tpu.memory_space<vmem>> -> memref<1x128x128xf32, #tpu.memory_space<vmem>>
      %dma_wait3A_82 = tpu.memref_squeeze %dma_wait3A_81 : memref<1x128x128xf32, #tpu.memory_space<vmem>> -> memref<128x128xf32, #tpu.memory_space<vmem>>
      %dma_wait3A_83 = arith.constant 0 : i32
      %dma_wait3A_84 = tpu.memref_slice %arg9[%add3A_12, %dma_wait3A_83] : memref<10112x128xf32, #tpu.memory_space<vmem_shared>> -> memref<128x128xf32, #tpu.memory_space<vmem_shared>>
      %dma_wait3A_85 = arith.constant 0 : i32
      %dma_wait3A_86 = tpu.memref_slice %arg9[%add3A_12, %dma_wait3A_85] : memref<10112x128xf32, #tpu.memory_space<vmem_shared>> -> memref<128x128xf32, #tpu.memory_space<vmem_shared>>
      %dma_wait3A_87 = arith.constant 0 : i32
      %dma_wait3A_88 = arith.constant 0 : i32
      %dma_wait3A_89 = tpu.memref_slice %arg8[%run_scoped3A_13, %dma_wait3A_87, %dma_wait3A_88] : memref<2x128x128xf32, #tpu.memory_space<vmem>> -> memref<1x128x128xf32, #tpu.memory_space<vmem>>
      %dma_wait3A_90 = tpu.memref_squeeze %dma_wait3A_89 : memref<1x128x128xf32, #tpu.memory_space<vmem>> -> memref<128x128xf32, #tpu.memory_space<vmem>>
      tpu.wait_dma2 semaphore(%run_scoped3A_67 : memref<!tpu.dma_semaphore, #tpu.memory_space<semaphore_mem>>) src(%dma_wait3A_90 : memref<128x128xf32, #tpu.memory_space<vmem>>) dst(%dma_wait3A_86 : memref<128x128xf32, #tpu.memory_space<vmem_shared>>)
      tpu.yield
    }) : () -> ()
    %add3A_14 = arith.constant 256 : i32
    %add3A_15 = arith.addi %mul3A_2, %add3A_14 : i32
    %run_scoped3A_16 = arith.constant 0 : i32
    "tpu.region"() ({
      %run_scoped3A_67 = tpu.sem_alloc : memref<!tpu.dma_semaphore, #tpu.memory_space<semaphore_mem>>
      %dma_start3A_68 = arith.constant 0 : i32
      %dma_start3A_69 = arith.constant 0 : i32
      %dma_start3A_70 = tpu.memref_slice %arg8[%run_scoped3A_16, %dma_start3A_68, %dma_start3A_69] : memref<2x128x128xf32, #tpu.memory_space<vmem>> -> memref<1x128x128xf32, #tpu.memory_space<vmem>>
      %dma_start3A_71 = tpu.memref_squeeze %dma_start3A_70 : memref<1x128x128xf32, #tpu.memory_space<vmem>> -> memref<128x128xf32, #tpu.memory_space<vmem>>
      %dma_start3A_72 = arith.constant 0 : i32
      %dma_start3A_73 = tpu.memref_slice %arg9[%add3A_15, %dma_start3A_72] : memref<10112x128xf32, #tpu.memory_space<vmem_shared>> -> memref<128x128xf32, #tpu.memory_space<vmem_shared>>
      %dma_start3A_74 = arith.constant 0 : i32
      %dma_start3A_75 = tpu.memref_slice %arg9[%add3A_15, %dma_start3A_74] : memref<10112x128xf32, #tpu.memory_space<vmem_shared>> -> memref<128x128xf32, #tpu.memory_space<vmem_shared>>
      %dma_start3A_76 = arith.constant 0 : i32
      %dma_start3A_77 = arith.constant 0 : i32
      %dma_start3A_78 = tpu.memref_slice %arg8[%run_scoped3A_16, %dma_start3A_76, %dma_start3A_77] : memref<2x128x128xf32, #tpu.memory_space<vmem>> -> memref<1x128x128xf32, #tpu.memory_space<vmem>>
      %dma_start3A_79 = tpu.memref_squeeze %dma_start3A_78 : memref<1x128x128xf32, #tpu.memory_space<vmem>> -> memref<128x128xf32, #tpu.memory_space<vmem>>
      tpu.enqueue_dma source(%dma_start3A_79 : memref<128x128xf32, #tpu.memory_space<vmem>>) target(%dma_start3A_75 : memref<128x128xf32, #tpu.memory_space<vmem_shared>>) target_semaphore(%run_scoped3A_67 : memref<!tpu.dma_semaphore, #tpu.memory_space<semaphore_mem>>)
      %dma_wait3A = arith.constant 0 : i32
      %dma_wait3A_80 = arith.constant 0 : i32
      %dma_wait3A_81 = tpu.memref_slice %arg8[%run_scoped3A_16, %dma_wait3A, %dma_wait3A_80] : memref<2x128x128xf32, #tpu.memory_space<vmem>> -> memref<1x128x128xf32, #tpu.memory_space<vmem>>
      %dma_wait3A_82 = tpu.memref_squeeze %dma_wait3A_81 : memref<1x128x128xf32, #tpu.memory_space<vmem>> -> memref<128x128xf32, #tpu.memory_space<vmem>>
      %dma_wait3A_83 = arith.constant 0 : i32
      %dma_wait3A_84 = tpu.memref_slice %arg9[%add3A_15, %dma_wait3A_83] : memref<10112x128xf32, #tpu.memory_space<vmem_shared>> -> memref<128x128xf32, #tpu.memory_space<vmem_shared>>
      %dma_wait3A_85 = arith.constant 0 : i32
      %dma_wait3A_86 = tpu.memref_slice %arg9[%add3A_15, %dma_wait3A_85] : memref<10112x128xf32, #tpu.memory_space<vmem_shared>> -> memref<128x128xf32, #tpu.memory_space<vmem_shared>>
      %dma_wait3A_87 = arith.constant 0 : i32
      %dma_wait3A_88 = arith.constant 0 : i32
      %dma_wait3A_89 = tpu.memref_slice %arg8[%run_scoped3A_16, %dma_wait3A_87, %dma_wait3A_88] : memref<2x128x128xf32, #tpu.memory_space<vmem>> -> memref<1x128x128xf32, #tpu.memory_space<vmem>>
      %dma_wait3A_90 = tpu.memref_squeeze %dma_wait3A_89 : memref<1x128x128xf32, #tpu.memory_space<vmem>> -> memref<128x128xf32, #tpu.memory_space<vmem>>
      tpu.wait_dma2 semaphore(%run_scoped3A_67 : memref<!tpu.dma_semaphore, #tpu.memory_space<semaphore_mem>>) src(%dma_wait3A_90 : memref<128x128xf32, #tpu.memory_space<vmem>>) dst(%dma_wait3A_86 : memref<128x128xf32, #tpu.memory_space<vmem_shared>>)
      tpu.yield
    }) : () -> ()
    %add3A_17 = arith.constant 384 : i32
    %add3A_18 = arith.addi %mul3A_2, %add3A_17 : i32
    %run_scoped3A_19 = arith.constant 0 : i32
    "tpu.region"() ({
      %run_scoped3A_67 = tpu.sem_alloc : memref<!tpu.dma_semaphore, #tpu.memory_space<semaphore_mem>>
      %dma_start3A_68 = arith.constant 0 : i32
      %dma_start3A_69 = arith.constant 0 : i32
      %dma_start3A_70 = tpu.memref_slice %arg8[%run_scoped3A_19, %dma_start3A_68, %dma_start3A_69] : memref<2x128x128xf32, #tpu.memory_space<vmem>> -> memref<1x128x128xf32, #tpu.memory_space<vmem>>
      %dma_start3A_71 = tpu.memref_squeeze %dma_start3A_70 : memref<1x128x128xf32, #tpu.memory_space<vmem>> -> memref<128x128xf32, #tpu.memory_space<vmem>>
      %dma_start3A_72 = arith.constant 0 : i32
      %dma_start3A_73 = tpu.memref_slice %arg9[%add3A_18, %dma_start3A_72] : memref<10112x128xf32, #tpu.memory_space<vmem_shared>> -> memref<128x128xf32, #tpu.memory_space<vmem_shared>>
      %dma_start3A_74 = arith.constant 0 : i32
      %dma_start3A_75 = tpu.memref_slice %arg9[%add3A_18, %dma_start3A_74] : memref<10112x128xf32, #tpu.memory_space<vmem_shared>> -> memref<128x128xf32, #tpu.memory_space<vmem_shared>>
      %dma_start3A_76 = arith.constant 0 : i32
      %dma_start3A_77 = arith.constant 0 : i32
      %dma_start3A_78 = tpu.memref_slice %arg8[%run_scoped3A_19, %dma_start3A_76, %dma_start3A_77] : memref<2x128x128xf32, #tpu.memory_space<vmem>> -> memref<1x128x128xf32, #tpu.memory_space<vmem>>
      %dma_start3A_79 = tpu.memref_squeeze %dma_start3A_78 : memref<1x128x128xf32, #tpu.memory_space<vmem>> -> memref<128x128xf32, #tpu.memory_space<vmem>>
      tpu.enqueue_dma source(%dma_start3A_79 : memref<128x128xf32, #tpu.memory_space<vmem>>) target(%dma_start3A_75 : memref<128x128xf32, #tpu.memory_space<vmem_shared>>) target_semaphore(%run_scoped3A_67 : memref<!tpu.dma_semaphore, #tpu.memory_space<semaphore_mem>>)
      %dma_wait3A = arith.constant 0 : i32
      %dma_wait3A_80 = arith.constant 0 : i32
      %dma_wait3A_81 = tpu.memref_slice %arg8[%run_scoped3A_19, %dma_wait3A, %dma_wait3A_80] : memref<2x128x128xf32, #tpu.memory_space<vmem>> -> memref<1x128x128xf32, #tpu.memory_space<vmem>>
      %dma_wait3A_82 = tpu.memref_squeeze %dma_wait3A_81 : memref<1x128x128xf32, #tpu.memory_space<vmem>> -> memref<128x128xf32, #tpu.memory_space<vmem>>
      %dma_wait3A_83 = arith.constant 0 : i32
      %dma_wait3A_84 = tpu.memref_slice %arg9[%add3A_18, %dma_wait3A_83] : memref<10112x128xf32, #tpu.memory_space<vmem_shared>> -> memref<128x128xf32, #tpu.memory_space<vmem_shared>>
      %dma_wait3A_85 = arith.constant 0 : i32
      %dma_wait3A_86 = tpu.memref_slice %arg9[%add3A_18, %dma_wait3A_85] : memref<10112x128xf32, #tpu.memory_space<vmem_shared>> -> memref<128x128xf32, #tpu.memory_space<vmem_shared>>
      %dma_wait3A_87 = arith.constant 0 : i32
      %dma_wait3A_88 = arith.constant 0 : i32
      %dma_wait3A_89 = tpu.memref_slice %arg8[%run_scoped3A_19, %dma_wait3A_87, %dma_wait3A_88] : memref<2x128x128xf32, #tpu.memory_space<vmem>> -> memref<1x128x128xf32, #tpu.memory_space<vmem>>
      %dma_wait3A_90 = tpu.memref_squeeze %dma_wait3A_89 : memref<1x128x128xf32, #tpu.memory_space<vmem>> -> memref<128x128xf32, #tpu.memory_space<vmem>>
      tpu.wait_dma2 semaphore(%run_scoped3A_67 : memref<!tpu.dma_semaphore, #tpu.memory_space<semaphore_mem>>) src(%dma_wait3A_90 : memref<128x128xf32, #tpu.memory_space<vmem>>) dst(%dma_wait3A_86 : memref<128x128xf32, #tpu.memory_space<vmem_shared>>)
      tpu.yield
    }) : () -> ()
    %add3A_20 = arith.constant 512 : i32
    %add3A_21 = arith.addi %mul3A_2, %add3A_20 : i32
    %run_scoped3A_22 = arith.constant 0 : i32
    "tpu.region"() ({
      %run_scoped3A_67 = tpu.sem_alloc : memref<!tpu.dma_semaphore, #tpu.memory_space<semaphore_mem>>
      %dma_start3A_68 = arith.constant 0 : i32
      %dma_start3A_69 = arith.constant 0 : i32
      %dma_start3A_70 = tpu.memref_slice %arg8[%run_scoped3A_22, %dma_start3A_68, %dma_start3A_69] : memref<2x128x128xf32, #tpu.memory_space<vmem>> -> memref<1x120x128xf32, #tpu.memory_space<vmem>>
      %dma_start3A_71 = tpu.memref_squeeze %dma_start3A_70 : memref<1x120x128xf32, #tpu.memory_space<vmem>> -> memref<120x128xf32, #tpu.memory_space<vmem>>
      %dma_start3A_72 = arith.constant 0 : i32
      %dma_start3A_73 = tpu.memref_slice %arg9[%add3A_21, %dma_start3A_72] : memref<10112x128xf32, #tpu.memory_space<vmem_shared>> -> memref<120x128xf32, #tpu.memory_space<vmem_shared>>
      %dma_start3A_74 = arith.constant 0 : i32
      %dma_start3A_75 = tpu.memref_slice %arg9[%add3A_21, %dma_start3A_74] : memref<10112x128xf32, #tpu.memory_space<vmem_shared>> -> memref<120x128xf32, #tpu.memory_space<vmem_shared>>
      %dma_start3A_76 = arith.constant 0 : i32
      %dma_start3A_77 = arith.constant 0 : i32
      %dma_start3A_78 = tpu.memref_slice %arg8[%run_scoped3A_22, %dma_start3A_76, %dma_start3A_77] : memref<2x128x128xf32, #tpu.memory_space<vmem>> -> memref<1x120x128xf32, #tpu.memory_space<vmem>>
      %dma_start3A_79 = tpu.memref_squeeze %dma_start3A_78 : memref<1x120x128xf32, #tpu.memory_space<vmem>> -> memref<120x128xf32, #tpu.memory_space<vmem>>
      tpu.enqueue_dma source(%dma_start3A_79 : memref<120x128xf32, #tpu.memory_space<vmem>>) target(%dma_start3A_75 : memref<120x128xf32, #tpu.memory_space<vmem_shared>>) target_semaphore(%run_scoped3A_67 : memref<!tpu.dma_semaphore, #tpu.memory_space<semaphore_mem>>)
      %dma_wait3A = arith.constant 0 : i32
      %dma_wait3A_80 = arith.constant 0 : i32
      %dma_wait3A_81 = tpu.memref_slice %arg8[%run_scoped3A_22, %dma_wait3A, %dma_wait3A_80] : memref<2x128x128xf32, #tpu.memory_space<vmem>> -> memref<1x120x128xf32, #tpu.memory_space<vmem>>
      %dma_wait3A_82 = tpu.memref_squeeze %dma_wait3A_81 : memref<1x120x128xf32, #tpu.memory_space<vmem>> -> memref<120x128xf32, #tpu.memory_space<vmem>>
      %dma_wait3A_83 = arith.constant 0 : i32
      %dma_wait3A_84 = tpu.memref_slice %arg9[%add3A_21, %dma_wait3A_83] : memref<10112x128xf32, #tpu.memory_space<vmem_shared>> -> memref<120x128xf32, #tpu.memory_space<vmem_shared>>
      %dma_wait3A_85 = arith.constant 0 : i32
      %dma_wait3A_86 = tpu.memref_slice %arg9[%add3A_21, %dma_wait3A_85] : memref<10112x128xf32, #tpu.memory_space<vmem_shared>> -> memref<120x128xf32, #tpu.memory_space<vmem_shared>>
      %dma_wait3A_87 = arith.constant 0 : i32
      %dma_wait3A_88 = arith.constant 0 : i32
      %dma_wait3A_89 = tpu.memref_slice %arg8[%run_scoped3A_22, %dma_wait3A_87, %dma_wait3A_88] : memref<2x128x128xf32, #tpu.memory_space<vmem>> -> memref<1x120x128xf32, #tpu.memory_space<vmem>>
      %dma_wait3A_90 = tpu.memref_squeeze %dma_wait3A_89 : memref<1x120x128xf32, #tpu.memory_space<vmem>> -> memref<120x128xf32, #tpu.memory_space<vmem>>
      tpu.wait_dma2 semaphore(%run_scoped3A_67 : memref<!tpu.dma_semaphore, #tpu.memory_space<semaphore_mem>>) src(%dma_wait3A_90 : memref<120x128xf32, #tpu.memory_space<vmem>>) dst(%dma_wait3A_86 : memref<120x128xf32, #tpu.memory_space<vmem_shared>>)
      tpu.yield
    }) : () -> ()
    %barrier3A = arith.constant 0 : index
    tpu.barrier barrier_id(%barrier3A)
    %mul3A_23 = arith.constant 80 : i32
    %mul3A_24 = arith.muli %add3A, %mul3A_23 : i32
    %add3A_25 = arith.constant 0 : i32
    %add3A_26 = arith.addi %mul3A_24, %add3A_25 : i32
    "tpu.region"() ({
      %run_scoped3A_67 = tpu.sem_alloc : memref<!tpu.dma_semaphore, #tpu.memory_space<semaphore_mem>>
      %dma_start3A_68 = arith.constant 0 : i32
      %dma_start3A_69 = tpu.memref_slice %arg3[%add3A_26, %dma_start3A_68] : memref<2560x128xi32, #tpu.memory_space<hbm>> -> memref<40x128xi32, #tpu.memory_space<hbm>>
      %dma_start3A_70 = arith.constant 0 : i32
      %dma_start3A_71 = tpu.memref_slice %arg3[%add3A_26, %dma_start3A_70] : memref<2560x128xi32, #tpu.memory_space<hbm>> -> memref<40x128xi32, #tpu.memory_space<hbm>>
      tpu.enqueue_dma source(%dma_start3A_71 : memref<40x128xi32, #tpu.memory_space<hbm>>) target(%arg6 : memref<40x128xi32, #tpu.memory_space<vmem>>) target_semaphore(%run_scoped3A_67 : memref<!tpu.dma_semaphore, #tpu.memory_space<semaphore_mem>>)
      %dma_wait3A = arith.constant 0 : i32
      %dma_wait3A_72 = tpu.memref_slice %arg3[%add3A_26, %dma_wait3A] : memref<2560x128xi32, #tpu.memory_space<hbm>> -> memref<40x128xi32, #tpu.memory_space<hbm>>
      %dma_wait3A_73 = arith.constant 0 : i32
      %dma_wait3A_74 = tpu.memref_slice %arg3[%add3A_26, %dma_wait3A_73] : memref<2560x128xi32, #tpu.memory_space<hbm>> -> memref<40x128xi32, #tpu.memory_space<hbm>>
      tpu.wait_dma2 semaphore(%run_scoped3A_67 : memref<!tpu.dma_semaphore, #tpu.memory_space<semaphore_mem>>) src(%dma_wait3A_74 : memref<40x128xi32, #tpu.memory_space<hbm>>) dst(%arg6 : memref<40x128xi32, #tpu.memory_space<vmem>>)
      tpu.yield
    }) : () -> ()
    "tpu.region"() ({
      %run_scoped3A_67 = tpu.sem_alloc : memref<!tpu.dma_semaphore, #tpu.memory_space<semaphore_mem>>
      %dma_start3A_68 = arith.constant 0 : i32
      %dma_start3A_69 = tpu.memref_slice %arg4[%add3A_26, %dma_start3A_68] : memref<2560x128xi32, #tpu.memory_space<hbm>> -> memref<40x128xi32, #tpu.memory_space<hbm>>
      %dma_start3A_70 = arith.constant 0 : i32
      %dma_start3A_71 = tpu.memref_slice %arg4[%add3A_26, %dma_start3A_70] : memref<2560x128xi32, #tpu.memory_space<hbm>> -> memref<40x128xi32, #tpu.memory_space<hbm>>
      tpu.enqueue_dma source(%dma_start3A_71 : memref<40x128xi32, #tpu.memory_space<hbm>>) target(%arg7 : memref<40x128xi32, #tpu.memory_space<vmem>>) target_semaphore(%run_scoped3A_67 : memref<!tpu.dma_semaphore, #tpu.memory_space<semaphore_mem>>)
      %dma_wait3A = arith.constant 0 : i32
      %dma_wait3A_72 = tpu.memref_slice %arg4[%add3A_26, %dma_wait3A] : memref<2560x128xi32, #tpu.memory_space<hbm>> -> memref<40x128xi32, #tpu.memory_space<hbm>>
      %dma_wait3A_73 = arith.constant 0 : i32
      %dma_wait3A_74 = tpu.memref_slice %arg4[%add3A_26, %dma_wait3A_73] : memref<2560x128xi32, #tpu.memory_space<hbm>> -> memref<40x128xi32, #tpu.memory_space<hbm>>
      tpu.wait_dma2 semaphore(%run_scoped3A_67 : memref<!tpu.dma_semaphore, #tpu.memory_space<semaphore_mem>>) src(%dma_wait3A_74 : memref<40x128xi32, #tpu.memory_space<hbm>>) dst(%arg7 : memref<40x128xi32, #tpu.memory_space<vmem>>)
      tpu.yield
    }) : () -> ()
    %dma_start3A = arith.constant 0 : i32
    %dma_start3A_27 = arith.constant 0 : i32
    %dma_start3A_28 = arith.constant 0 : i32
    %dma_start3A_29 = arith.constant 0 : i32
    %dma_start3A_30 = tpu.memref_slice %arg8[%dma_start3A_27, %dma_start3A_28, %dma_start3A_29] : memref<2x128x128xf32, #tpu.memory_space<vmem>> -> memref<1x128x128xf32, #tpu.memory_space<vmem>>
    %dma_start3A_31 = tpu.memref_squeeze %dma_start3A_30 : memref<1x128x128xf32, #tpu.memory_space<vmem>> -> memref<128x128xf32, #tpu.memory_space<vmem>>
    %dma_start3A_32 = arith.constant 0 : i32
    %dma_start3A_33 = tpu.memref_slice %arg6[%dma_start3A, %dma_start3A_32] : memref<40x128xi32, #tpu.memory_space<vmem>> -> memref<1x128xi32, #tpu.memory_space<vmem>>
    %dma_start3A_34 = tpu.memref_squeeze %dma_start3A_33 : memref<1x128xi32, #tpu.memory_space<vmem>> -> memref<128xi32, #tpu.memory_space<vmem>>
    %dma_start3A_35 = arith.constant 0 : i32
    %dma_start3A_36 = arith.constant 0 : i32
    %dma_start3A_37 = tpu.memref_slice %arg2[%dma_start3A_35, %dma_start3A_36] : memref<10000x128xf32, #tpu.memory_space<hbm>> -> memref<10000x128xf32, #tpu.memory_space<hbm>>
    tpu.enqueue_indirect_dma source(%dma_start3A_37 : memref<10000x128xf32, #tpu.memory_space<hbm>>) target(%dma_start3A_31 : memref<128x128xf32, #tpu.memory_space<vmem>>) offsets(%dma_start3A_34 : memref<128xi32, #tpu.memory_space<vmem>>) semaphore(%arg10 : memref<!tpu.dma_semaphore, #tpu.memory_space<semaphore_mem>>)
    %scan3A_38 = arith.constant 0 : i32
    %scan3A_39 = arith.constant 0 : i32
    %scan3A_40 = arith.constant 40 : i32
    %scan3A_41 = arith.addi %scan3A_39, %scan3A_40 : i32
    %scan3A_42 = arith.constant 1 : i32
    scf.for %scan3A_67 = %scan3A_39 to %scan3A_41 step %scan3A_42  : i32 {
      %rem3A = arith.constant 2 : i32
      %rem3A_68 = arith.remsi %scan3A_67, %rem3A : i32
      %dma_wait3A = arith.constant 0 : i32
      %dma_wait3A_69 = arith.constant 0 : i32
      %dma_wait3A_70 = tpu.memref_slice %arg8[%rem3A_68, %dma_wait3A, %dma_wait3A_69] : memref<2x128x128xf32, #tpu.memory_space<vmem>> -> memref<1x128x128xf32, #tpu.memory_space<vmem>>
      %dma_wait3A_71 = tpu.memref_squeeze %dma_wait3A_70 : memref<1x128x128xf32, #tpu.memory_space<vmem>> -> memref<128x128xf32, #tpu.memory_space<vmem>>
      %dma_wait3A_72 = arith.constant 0 : i32
      %dma_wait3A_73 = tpu.memref_slice %arg6[%scan3A_67, %dma_wait3A_72] : memref<40x128xi32, #tpu.memory_space<vmem>> -> memref<1x128xi32, #tpu.memory_space<vmem>>
      %dma_wait3A_74 = tpu.memref_squeeze %dma_wait3A_73 : memref<1x128xi32, #tpu.memory_space<vmem>> -> memref<128xi32, #tpu.memory_space<vmem>>
      %dma_wait3A_75 = arith.constant 0 : i32
      %dma_wait3A_76 = arith.constant 0 : i32
      %dma_wait3A_77 = tpu.memref_slice %arg2[%dma_wait3A_75, %dma_wait3A_76] : memref<10000x128xf32, #tpu.memory_space<hbm>> -> memref<10000x128xf32, #tpu.memory_space<hbm>>
      tpu.wait_indirect_dma semaphore(%arg10 : memref<!tpu.dma_semaphore, #tpu.memory_space<semaphore_mem>>) src(%dma_wait3A_77 : memref<10000x128xf32, #tpu.memory_space<hbm>>) dst(%dma_wait3A_71 : memref<128x128xf32, #tpu.memory_space<vmem>>)
      %add3A_78 = arith.constant 1 : i32
      %add3A_79 = arith.addi %scan3A_67, %add3A_78 : i32
      %lt3A = arith.constant 40 : i32
      %lt3A_80 = arith.cmpi slt, %add3A_79, %lt3A : i32
      %convert_element_type3A = arith.extui %lt3A_80 : i1 to i32
      %cond3A = arith.constant 0 : i32
      %cond3A_81 = arith.cmpi ne, %convert_element_type3A, %cond3A : i32
      scf.if %cond3A_81 {
        %add3A_82 = arith.constant 1 : i32
        %add3A_83 = arith.addi %scan3A_67, %add3A_82 : i32
        %sub3A = arith.constant 1 : i32
        %sub3A_84 = arith.subi %sub3A, %rem3A_68 : i32
        %dma_start3A_85 = arith.constant 0 : i32
        %dma_start3A_86 = arith.constant 0 : i32
        %dma_start3A_87 = tpu.memref_slice %arg8[%sub3A_84, %dma_start3A_85, %dma_start3A_86] : memref<2x128x128xf32, #tpu.memory_space<vmem>> -> memref<1x128x128xf32, #tpu.memory_space<vmem>>
        %dma_start3A_88 = tpu.memref_squeeze %dma_start3A_87 : memref<1x128x128xf32, #tpu.memory_space<vmem>> -> memref<128x128xf32, #tpu.memory_space<vmem>>
        %dma_start3A_89 = arith.constant 0 : i32
        %dma_start3A_90 = tpu.memref_slice %arg6[%add3A_83, %dma_start3A_89] : memref<40x128xi32, #tpu.memory_space<vmem>> -> memref<1x128xi32, #tpu.memory_space<vmem>>
        %dma_start3A_91 = tpu.memref_squeeze %dma_start3A_90 : memref<1x128xi32, #tpu.memory_space<vmem>> -> memref<128xi32, #tpu.memory_space<vmem>>
        %dma_start3A_92 = arith.constant 0 : i32
        %dma_start3A_93 = arith.constant 0 : i32
        %dma_start3A_94 = tpu.memref_slice %arg2[%dma_start3A_92, %dma_start3A_93] : memref<10000x128xf32, #tpu.memory_space<hbm>> -> memref<10000x128xf32, #tpu.memory_space<hbm>>
        tpu.enqueue_indirect_dma source(%dma_start3A_94 : memref<10000x128xf32, #tpu.memory_space<hbm>>) target(%dma_start3A_88 : memref<128x128xf32, #tpu.memory_space<vmem>>) offsets(%dma_start3A_91 : memref<128xi32, #tpu.memory_space<vmem>>) semaphore(%arg10 : memref<!tpu.dma_semaphore, #tpu.memory_space<semaphore_mem>>)
      } else {
      }
      "tpu.region"() ({
        %run_scoped3A_82 = tpu.sem_alloc : memref<!tpu.dma_semaphore, #tpu.memory_space<semaphore_mem>>
        %dma_start3A_83 = arith.constant 0 : i32
        %dma_start3A_84 = arith.constant 0 : i32
        %dma_start3A_85 = tpu.memref_slice %arg8[%rem3A_68, %dma_start3A_83, %dma_start3A_84] : memref<2x128x128xf32, #tpu.memory_space<vmem>> -> memref<1x128x128xf32, #tpu.memory_space<vmem>>
        %dma_start3A_86 = tpu.memref_squeeze %dma_start3A_85 : memref<1x128x128xf32, #tpu.memory_space<vmem>> -> memref<128x128xf32, #tpu.memory_space<vmem>>
        %dma_start3A_87 = arith.constant 0 : i32
        %dma_start3A_88 = tpu.memref_slice %arg7[%scan3A_67, %dma_start3A_87] : memref<40x128xi32, #tpu.memory_space<vmem>> -> memref<1x128xi32, #tpu.memory_space<vmem>>
        %dma_start3A_89 = tpu.memref_squeeze %dma_start3A_88 : memref<1x128xi32, #tpu.memory_space<vmem>> -> memref<128xi32, #tpu.memory_space<vmem>>
        %dma_start3A_90 = arith.constant 0 : i32
        %dma_start3A_91 = arith.constant 0 : i32
        %dma_start3A_92 = tpu.memref_slice %arg9[%dma_start3A_90, %dma_start3A_91] : memref<10112x128xf32, #tpu.memory_space<vmem_shared>> -> memref<10112x128xf32, #tpu.memory_space<vmem_shared>>
        tpu.enqueue_indirect_dma source(%dma_start3A_86 : memref<128x128xf32, #tpu.memory_space<vmem>>) target(%dma_start3A_92 : memref<10112x128xf32, #tpu.memory_space<vmem_shared>>) offsets(%dma_start3A_89 : memref<128xi32, #tpu.memory_space<vmem>>) semaphore(%run_scoped3A_82 : memref<!tpu.dma_semaphore, #tpu.memory_space<semaphore_mem>>) {add = true}
        %dma_wait3A_93 = arith.constant 0 : i32
        %dma_wait3A_94 = arith.constant 0 : i32
        %dma_wait3A_95 = tpu.memref_slice %arg8[%rem3A_68, %dma_wait3A_93, %dma_wait3A_94] : memref<2x128x128xf32, #tpu.memory_space<vmem>> -> memref<1x128x128xf32, #tpu.memory_space<vmem>>
        %dma_wait3A_96 = tpu.memref_squeeze %dma_wait3A_95 : memref<1x128x128xf32, #tpu.memory_space<vmem>> -> memref<128x128xf32, #tpu.memory_space<vmem>>
        %dma_wait3A_97 = arith.constant 0 : i32
        %dma_wait3A_98 = tpu.memref_slice %arg7[%scan3A_67, %dma_wait3A_97] : memref<40x128xi32, #tpu.memory_space<vmem>> -> memref<1x128xi32, #tpu.memory_space<vmem>>
        %dma_wait3A_99 = tpu.memref_squeeze %dma_wait3A_98 : memref<1x128xi32, #tpu.memory_space<vmem>> -> memref<128xi32, #tpu.memory_space<vmem>>
        %dma_wait3A_100 = arith.constant 0 : i32
        %dma_wait3A_101 = arith.constant 0 : i32
        %dma_wait3A_102 = tpu.memref_slice %arg9[%dma_wait3A_100, %dma_wait3A_101] : memref<10112x128xf32, #tpu.memory_space<vmem_shared>> -> memref<10112x128xf32, #tpu.memory_space<vmem_shared>>
        tpu.wait_indirect_dma semaphore(%run_scoped3A_82 : memref<!tpu.dma_semaphore, #tpu.memory_space<semaphore_mem>>) src(%dma_wait3A_96 : memref<128x128xf32, #tpu.memory_space<vmem>>) dst(%dma_wait3A_102 : memref<10112x128xf32, #tpu.memory_space<vmem_shared>>)
        tpu.yield
      }) : () -> ()
    }
    %scan3A_43 = arith.constant 40 : i32
    %mul3A_44 = arith.constant 80 : i32
    %mul3A_45 = arith.muli %add3A, %mul3A_44 : i32
    %add3A_46 = arith.constant 40 : i32
    %add3A_47 = arith.addi %mul3A_45, %add3A_46 : i32
    "tpu.region"() ({
      %run_scoped3A_67 = tpu.sem_alloc : memref<!tpu.dma_semaphore, #tpu.memory_space<semaphore_mem>>
      %dma_start3A_68 = arith.constant 0 : i32
      %dma_start3A_69 = tpu.memref_slice %arg3[%add3A_47, %dma_start3A_68] : memref<2560x128xi32, #tpu.memory_space<hbm>> -> memref<40x128xi32, #tpu.memory_space<hbm>>
      %dma_start3A_70 = arith.constant 0 : i32
      %dma_start3A_71 = tpu.memref_slice %arg3[%add3A_47, %dma_start3A_70] : memref<2560x128xi32, #tpu.memory_space<hbm>> -> memref<40x128xi32, #tpu.memory_space<hbm>>
      tpu.enqueue_dma source(%dma_start3A_71 : memref<40x128xi32, #tpu.memory_space<hbm>>) target(%arg6 : memref<40x128xi32, #tpu.memory_space<vmem>>) target_semaphore(%run_scoped3A_67 : memref<!tpu.dma_semaphore, #tpu.memory_space<semaphore_mem>>)
      %dma_wait3A = arith.constant 0 : i32
      %dma_wait3A_72 = tpu.memref_slice %arg3[%add3A_47, %dma_wait3A] : memref<2560x128xi32, #tpu.memory_space<hbm>> -> memref<40x128xi32, #tpu.memory_space<hbm>>
      %dma_wait3A_73 = arith.constant 0 : i32
      %dma_wait3A_74 = tpu.memref_slice %arg3[%add3A_47, %dma_wait3A_73] : memref<2560x128xi32, #tpu.memory_space<hbm>> -> memref<40x128xi32, #tpu.memory_space<hbm>>
      tpu.wait_dma2 semaphore(%run_scoped3A_67 : memref<!tpu.dma_semaphore, #tpu.memory_space<semaphore_mem>>) src(%dma_wait3A_74 : memref<40x128xi32, #tpu.memory_space<hbm>>) dst(%arg6 : memref<40x128xi32, #tpu.memory_space<vmem>>)
      tpu.yield
    }) : () -> ()
    "tpu.region"() ({
      %run_scoped3A_67 = tpu.sem_alloc : memref<!tpu.dma_semaphore, #tpu.memory_space<semaphore_mem>>
      %dma_start3A_68 = arith.constant 0 : i32
      %dma_start3A_69 = tpu.memref_slice %arg4[%add3A_47, %dma_start3A_68] : memref<2560x128xi32, #tpu.memory_space<hbm>> -> memref<40x128xi32, #tpu.memory_space<hbm>>
      %dma_start3A_70 = arith.constant 0 : i32
      %dma_start3A_71 = tpu.memref_slice %arg4[%add3A_47, %dma_start3A_70] : memref<2560x128xi32, #tpu.memory_space<hbm>> -> memref<40x128xi32, #tpu.memory_space<hbm>>
      tpu.enqueue_dma source(%dma_start3A_71 : memref<40x128xi32, #tpu.memory_space<hbm>>) target(%arg7 : memref<40x128xi32, #tpu.memory_space<vmem>>) target_semaphore(%run_scoped3A_67 : memref<!tpu.dma_semaphore, #tpu.memory_space<semaphore_mem>>)
      %dma_wait3A = arith.constant 0 : i32
      %dma_wait3A_72 = tpu.memref_slice %arg4[%add3A_47, %dma_wait3A] : memref<2560x128xi32, #tpu.memory_space<hbm>> -> memref<40x128xi32, #tpu.memory_space<hbm>>
      %dma_wait3A_73 = arith.constant 0 : i32
      %dma_wait3A_74 = tpu.memref_slice %arg4[%add3A_47, %dma_wait3A_73] : memref<2560x128xi32, #tpu.memory_space<hbm>> -> memref<40x128xi32, #tpu.memory_space<hbm>>
      tpu.wait_dma2 semaphore(%run_scoped3A_67 : memref<!tpu.dma_semaphore, #tpu.memory_space<semaphore_mem>>) src(%dma_wait3A_74 : memref<40x128xi32, #tpu.memory_space<hbm>>) dst(%arg7 : memref<40x128xi32, #tpu.memory_space<vmem>>)
      tpu.yield
    }) : () -> ()
    %dma_start3A_48 = arith.constant 0 : i32
    %dma_start3A_49 = arith.constant 0 : i32
    %dma_start3A_50 = arith.constant 0 : i32
    %dma_start3A_51 = arith.constant 0 : i32
    %dma_start3A_52 = tpu.memref_slice %arg8[%dma_start3A_49, %dma_start3A_50, %dma_start3A_51] : memref<2x128x128xf32, #tpu.memory_space<vmem>> -> memref<1x128x128xf32, #tpu.memory_space<vmem>>
    %dma_start3A_53 = tpu.memref_squeeze %dma_start3A_52 : memref<1x128x128xf32, #tpu.memory_space<vmem>> -> memref<128x128xf32, #tpu.memory_space<vmem>>
    %dma_start3A_54 = arith.constant 0 : i32
    %dma_start3A_55 = tpu.memref_slice %arg6[%dma_start3A_48, %dma_start3A_54] : memref<40x128xi32, #tpu.memory_space<vmem>> -> memref<1x128xi32, #tpu.memory_space<vmem>>
    %dma_start3A_56 = tpu.memref_squeeze %dma_start3A_55 : memref<1x128xi32, #tpu.memory_space<vmem>> -> memref<128xi32, #tpu.memory_space<vmem>>
    %dma_start3A_57 = arith.constant 0 : i32
    %dma_start3A_58 = arith.constant 0 : i32
    %dma_start3A_59 = tpu.memref_slice %arg2[%dma_start3A_57, %dma_start3A_58] : memref<10000x128xf32, #tpu.memory_space<hbm>> -> memref<10000x128xf32, #tpu.memory_space<hbm>>
    tpu.enqueue_indirect_dma source(%dma_start3A_59 : memref<10000x128xf32, #tpu.memory_space<hbm>>) target(%dma_start3A_53 : memref<128x128xf32, #tpu.memory_space<vmem>>) offsets(%dma_start3A_56 : memref<128xi32, #tpu.memory_space<vmem>>) semaphore(%arg10 : memref<!tpu.dma_semaphore, #tpu.memory_space<semaphore_mem>>)
    %scan3A_60 = arith.constant 0 : i32
    %scan3A_61 = arith.constant 0 : i32
    %scan3A_62 = arith.constant 40 : i32
    %scan3A_63 = arith.addi %scan3A_61, %scan3A_62 : i32
    %scan3A_64 = arith.constant 1 : i32
    scf.for %scan3A_67 = %scan3A_61 to %scan3A_63 step %scan3A_64  : i32 {
      %rem3A = arith.constant 2 : i32
      %rem3A_68 = arith.remsi %scan3A_67, %rem3A : i32
      %dma_wait3A = arith.constant 0 : i32
      %dma_wait3A_69 = arith.constant 0 : i32
      %dma_wait3A_70 = tpu.memref_slice %arg8[%rem3A_68, %dma_wait3A, %dma_wait3A_69] : memref<2x128x128xf32, #tpu.memory_space<vmem>> -> memref<1x128x128xf32, #tpu.memory_space<vmem>>
      %dma_wait3A_71 = tpu.memref_squeeze %dma_wait3A_70 : memref<1x128x128xf32, #tpu.memory_space<vmem>> -> memref<128x128xf32, #tpu.memory_space<vmem>>
      %dma_wait3A_72 = arith.constant 0 : i32
      %dma_wait3A_73 = tpu.memref_slice %arg6[%scan3A_67, %dma_wait3A_72] : memref<40x128xi32, #tpu.memory_space<vmem>> -> memref<1x128xi32, #tpu.memory_space<vmem>>
      %dma_wait3A_74 = tpu.memref_squeeze %dma_wait3A_73 : memref<1x128xi32, #tpu.memory_space<vmem>> -> memref<128xi32, #tpu.memory_space<vmem>>
      %dma_wait3A_75 = arith.constant 0 : i32
      %dma_wait3A_76 = arith.constant 0 : i32
      %dma_wait3A_77 = tpu.memref_slice %arg2[%dma_wait3A_75, %dma_wait3A_76] : memref<10000x128xf32, #tpu.memory_space<hbm>> -> memref<10000x128xf32, #tpu.memory_space<hbm>>
      tpu.wait_indirect_dma semaphore(%arg10 : memref<!tpu.dma_semaphore, #tpu.memory_space<semaphore_mem>>) src(%dma_wait3A_77 : memref<10000x128xf32, #tpu.memory_space<hbm>>) dst(%dma_wait3A_71 : memref<128x128xf32, #tpu.memory_space<vmem>>)
      %add3A_78 = arith.constant 1 : i32
      %add3A_79 = arith.addi %scan3A_67, %add3A_78 : i32
      %lt3A = arith.constant 40 : i32
      %lt3A_80 = arith.cmpi slt, %add3A_79, %lt3A : i32
      %convert_element_type3A = arith.extui %lt3A_80 : i1 to i32
      %cond3A = arith.constant 0 : i32
      %cond3A_81 = arith.cmpi ne, %convert_element_type3A, %cond3A : i32
      scf.if %cond3A_81 {
        %add3A_82 = arith.constant 1 : i32
        %add3A_83 = arith.addi %scan3A_67, %add3A_82 : i32
        %sub3A = arith.constant 1 : i32
        %sub3A_84 = arith.subi %sub3A, %rem3A_68 : i32
        %dma_start3A_85 = arith.constant 0 : i32
        %dma_start3A_86 = arith.constant 0 : i32
        %dma_start3A_87 = tpu.memref_slice %arg8[%sub3A_84, %dma_start3A_85, %dma_start3A_86] : memref<2x128x128xf32, #tpu.memory_space<vmem>> -> memref<1x128x128xf32, #tpu.memory_space<vmem>>
        %dma_start3A_88 = tpu.memref_squeeze %dma_start3A_87 : memref<1x128x128xf32, #tpu.memory_space<vmem>> -> memref<128x128xf32, #tpu.memory_space<vmem>>
        %dma_start3A_89 = arith.constant 0 : i32
        %dma_start3A_90 = tpu.memref_slice %arg6[%add3A_83, %dma_start3A_89] : memref<40x128xi32, #tpu.memory_space<vmem>> -> memref<1x128xi32, #tpu.memory_space<vmem>>
        %dma_start3A_91 = tpu.memref_squeeze %dma_start3A_90 : memref<1x128xi32, #tpu.memory_space<vmem>> -> memref<128xi32, #tpu.memory_space<vmem>>
        %dma_start3A_92 = arith.constant 0 : i32
        %dma_start3A_93 = arith.constant 0 : i32
        %dma_start3A_94 = tpu.memref_slice %arg2[%dma_start3A_92, %dma_start3A_93] : memref<10000x128xf32, #tpu.memory_space<hbm>> -> memref<10000x128xf32, #tpu.memory_space<hbm>>
        tpu.enqueue_indirect_dma source(%dma_start3A_94 : memref<10000x128xf32, #tpu.memory_space<hbm>>) target(%dma_start3A_88 : memref<128x128xf32, #tpu.memory_space<vmem>>) offsets(%dma_start3A_91 : memref<128xi32, #tpu.memory_space<vmem>>) semaphore(%arg10 : memref<!tpu.dma_semaphore, #tpu.memory_space<semaphore_mem>>)
      } else {
      }
      "tpu.region"() ({
        %run_scoped3A_82 = tpu.sem_alloc : memref<!tpu.dma_semaphore, #tpu.memory_space<semaphore_mem>>
        %dma_start3A_83 = arith.constant 0 : i32
        %dma_start3A_84 = arith.constant 0 : i32
        %dma_start3A_85 = tpu.memref_slice %arg8[%rem3A_68, %dma_start3A_83, %dma_start3A_84] : memref<2x128x128xf32, #tpu.memory_space<vmem>> -> memref<1x128x128xf32, #tpu.memory_space<vmem>>
        %dma_start3A_86 = tpu.memref_squeeze %dma_start3A_85 : memref<1x128x128xf32, #tpu.memory_space<vmem>> -> memref<128x128xf32, #tpu.memory_space<vmem>>
        %dma_start3A_87 = arith.constant 0 : i32
        %dma_start3A_88 = tpu.memref_slice %arg7[%scan3A_67, %dma_start3A_87] : memref<40x128xi32, #tpu.memory_space<vmem>> -> memref<1x128xi32, #tpu.memory_space<vmem>>
        %dma_start3A_89 = tpu.memref_squeeze %dma_start3A_88 : memref<1x128xi32, #tpu.memory_space<vmem>> -> memref<128xi32, #tpu.memory_space<vmem>>
        %dma_start3A_90 = arith.constant 0 : i32
        %dma_start3A_91 = arith.constant 0 : i32
        %dma_start3A_92 = tpu.memref_slice %arg9[%dma_start3A_90, %dma_start3A_91] : memref<10112x128xf32, #tpu.memory_space<vmem_shared>> -> memref<10112x128xf32, #tpu.memory_space<vmem_shared>>
        tpu.enqueue_indirect_dma source(%dma_start3A_86 : memref<128x128xf32, #tpu.memory_space<vmem>>) target(%dma_start3A_92 : memref<10112x128xf32, #tpu.memory_space<vmem_shared>>) offsets(%dma_start3A_89 : memref<128xi32, #tpu.memory_space<vmem>>) semaphore(%run_scoped3A_82 : memref<!tpu.dma_semaphore, #tpu.memory_space<semaphore_mem>>) {add = true}
        %dma_wait3A_93 = arith.constant 0 : i32
        %dma_wait3A_94 = arith.constant 0 : i32
        %dma_wait3A_95 = tpu.memref_slice %arg8[%rem3A_68, %dma_wait3A_93, %dma_wait3A_94] : memref<2x128x128xf32, #tpu.memory_space<vmem>> -> memref<1x128x128xf32, #tpu.memory_space<vmem>>
        %dma_wait3A_96 = tpu.memref_squeeze %dma_wait3A_95 : memref<1x128x128xf32, #tpu.memory_space<vmem>> -> memref<128x128xf32, #tpu.memory_space<vmem>>
        %dma_wait3A_97 = arith.constant 0 : i32
        %dma_wait3A_98 = tpu.memref_slice %arg7[%scan3A_67, %dma_wait3A_97] : memref<40x128xi32, #tpu.memory_space<vmem>> -> memref<1x128xi32, #tpu.memory_space<vmem>>
        %dma_wait3A_99 = tpu.memref_squeeze %dma_wait3A_98 : memref<1x128xi32, #tpu.memory_space<vmem>> -> memref<128xi32, #tpu.memory_space<vmem>>
        %dma_wait3A_100 = arith.constant 0 : i32
        %dma_wait3A_101 = arith.constant 0 : i32
        %dma_wait3A_102 = tpu.memref_slice %arg9[%dma_wait3A_100, %dma_wait3A_101] : memref<10112x128xf32, #tpu.memory_space<vmem_shared>> -> memref<10112x128xf32, #tpu.memory_space<vmem_shared>>
        tpu.wait_indirect_dma semaphore(%run_scoped3A_82 : memref<!tpu.dma_semaphore, #tpu.memory_space<semaphore_mem>>) src(%dma_wait3A_96 : memref<128x128xf32, #tpu.memory_space<vmem>>) dst(%dma_wait3A_102 : memref<10112x128xf32, #tpu.memory_space<vmem_shared>>)
        tpu.yield
      }) : () -> ()
    }
    %scan3A_65 = arith.constant 40 : i32
    %barrier3A_66 = arith.constant 0 : index
    tpu.barrier barrier_id(%barrier3A_66)
    "tpu.region"() ({
      %run_scoped3A_67 = tpu.sem_alloc : memref<!tpu.dma_semaphore, #tpu.memory_space<semaphore_mem>>
      %dma_start3A_68 = arith.constant 0 : i32
      %dma_start3A_69 = tpu.memref_slice %arg5[%arg0, %mul3A_2, %dma_start3A_68] : memref<2x10112x128xf32, #tpu.memory_space<hbm>> -> memref<1x632x128xf32, #tpu.memory_space<hbm>>
      %dma_start3A_70 = tpu.memref_squeeze %dma_start3A_69 : memref<1x632x128xf32, #tpu.memory_space<hbm>> -> memref<632x128xf32, #tpu.memory_space<hbm>>
      %dma_start3A_71 = arith.constant 0 : i32
      %dma_start3A_72 = tpu.memref_slice %arg9[%mul3A_2, %dma_start3A_71] : memref<10112x128xf32, #tpu.memory_space<vmem_shared>> -> memref<632x128xf32, #tpu.memory_space<vmem_shared>>
      tpu.enqueue_dma source(%dma_start3A_72 : memref<632x128xf32, #tpu.memory_space<vmem_shared>>) target(%dma_start3A_70 : memref<632x128xf32, #tpu.memory_space<hbm>>) target_semaphore(%run_scoped3A_67 : memref<!tpu.dma_semaphore, #tpu.memory_space<semaphore_mem>>)
      %dma_wait3A = arith.constant 0 : i32
      %dma_wait3A_73 = tpu.memref_slice %arg5[%arg0, %mul3A_2, %dma_wait3A] : memref<2x10112x128xf32, #tpu.memory_space<hbm>> -> memref<1x632x128xf32, #tpu.memory_space<hbm>>
      %dma_wait3A_74 = tpu.memref_squeeze %dma_wait3A_73 : memref<1x632x128xf32, #tpu.memory_space<hbm>> -> memref<632x128xf32, #tpu.memory_space<hbm>>
      %dma_wait3A_75 = arith.constant 0 : i32
      %dma_wait3A_76 = tpu.memref_slice %arg9[%mul3A_2, %dma_wait3A_75] : memref<10112x128xf32, #tpu.memory_space<vmem_shared>> -> memref<632x128xf32, #tpu.memory_space<vmem_shared>>
      tpu.wait_dma2 semaphore(%run_scoped3A_67 : memref<!tpu.dma_semaphore, #tpu.memory_space<semaphore_mem>>) src(%dma_wait3A_76 : memref<632x128xf32, #tpu.memory_space<vmem_shared>>) dst(%dma_wait3A_74 : memref<632x128xf32, #tpu.memory_space<hbm>>)
      tpu.yield
    }) : () -> ()
    return
  }
}

#map = affine_map<(d0, d1) -> (0, 0)>
#map1 = affine_map<(d0, d1) -> (0, 0, 0)>
module attributes {stable_mosaic.version = 14 : i64} {
  func.func @_sc_scatter(%arg0: i32, %arg1: i32, %arg2: memref<10000x128xf32, #tpu.memory_space<hbm>>, %arg3: memref<2560x128xi32, #tpu.memory_space<hbm>>, %arg4: memref<2560x128xi32, #tpu.memory_space<hbm>>, %arg5: memref<2x10112x128xf32, #tpu.memory_space<hbm>>, %arg6: memref<40x128xi32, #tpu.memory_space<vmem>>, %arg7: memref<40x128xi32, #tpu.memory_space<vmem>>, %arg8: memref<2x128x128xf32, #tpu.memory_space<vmem>>, %arg9: memref<10112x128xf32, #tpu.memory_space<vmem_shared>>, %arg10: memref<!tpu.dma_semaphore, #tpu.memory_space<semaphore_mem>>) attributes {dimension_semantics = [#tpu.dimension_semantics<core_parallel>, #tpu.dimension_semantics<subcore_parallel>], iteration_bounds = array<i64: 2, 16>, scalar_prefetch = 0 : i64, scratch_operands = 5 : i64, tpu.core_type = #tpu.core_type<sc_vector_subcore>, window_params = [{transform_indices = #map}, {transform_indices = #map}, {transform_indices = #map}, {transform_indices = #map1}]} {
    %mul3A = arith.constant 2 : i32
    %mul3A_0 = arith.muli %arg1, %mul3A : i32
    %add3A = arith.addi %mul3A_0, %arg0 : i32
    %mul3A_1 = arith.constant 632 : i32
    %mul3A_2 = arith.muli %arg1, %mul3A_1 : i32
    %broadcast_in_dim3A = arith.constant 0.000000e+00 : f32
    %broadcast_in_dim3A_3 = vector.broadcast %broadcast_in_dim3A : f32 to vector<16xf32>
    %scan3A = arith.constant 0 : i32
    %scan3A_4 = arith.constant 0 : i32
    %scan3A_5 = arith.constant 1024 : i32
    %scan3A_6 = arith.addi %scan3A_4, %scan3A_5 : i32
    %scan3A_7 = arith.constant 1 : i32
    scf.for %scan3A_67 = %scan3A_4 to %scan3A_6 step %scan3A_7  : i32 {
      %jit3A = arith.constant 8 : i32
      %div3A = arith.divsi %scan3A_67, %jit3A : i32
      %sign3A = arith.constant 0 : i32
      %sign3A_68 = arith.cmpi sgt, %scan3A_67, %sign3A : i32
      %sign3A_69 = arith.extui %sign3A_68 : i1 to i32
      %sign3A_70 = arith.constant 0 : i32
      %sign3A_71 = arith.cmpi slt, %scan3A_67, %sign3A_70 : i32
      %sign3A_72 = arith.extui %sign3A_71 : i1 to i32
      %sign3A_73 = arith.subi %sign3A_69, %sign3A_72 : i32
      %sign3A_74 = arith.constant 0 : i32
      %sign3A_75 = arith.cmpi sgt, %jit3A, %sign3A_74 : i32
      %sign3A_76 = arith.extui %sign3A_75 : i1 to i32
      %sign3A_77 = arith.constant 0 : i32
      %sign3A_78 = arith.cmpi slt, %jit3A, %sign3A_77 : i32
      %sign3A_79 = arith.extui %sign3A_78 : i1 to i32
      %sign3A_80 = arith.subi %sign3A_76, %sign3A_79 : i32
      %ne3A = arith.cmpi ne, %sign3A_73, %sign3A_80 : i32
      %rem3A = arith.remsi %scan3A_67, %jit3A : i32
      %ne3A_81 = arith.constant 0 : i32
      %ne3A_82 = arith.cmpi ne, %rem3A, %ne3A_81 : i32
      %and3A = arith.andi %ne3A, %ne3A_82 : i1
      %sub3A = arith.constant 1 : i32
      %sub3A_83 = arith.subi %div3A, %sub3A : i32
      %select_n3A = arith.select %and3A, %sub3A_83, %div3A : i32
      %jit3A_84 = arith.constant 8 : i32
      %eq3A = arith.constant 0 : i32
      %eq3A_85 = arith.cmpi eq, %jit3A_84, %eq3A : i32
      %jit3A_86 = arith.constant 1 : i32
      %select_n3A_87 = arith.select %eq3A_85, %jit3A_86, %jit3A_84 : i32
      %rem3A_88 = arith.remsi %scan3A_67, %select_n3A_87 : i32
      %ne3A_89 = arith.constant 0 : i32
      %ne3A_90 = arith.cmpi ne, %rem3A_88, %ne3A_89 : i32
      %lt3A = arith.constant 0 : i32
      %lt3A_91 = arith.cmpi slt, %rem3A_88, %lt3A : i32
      %lt3A_92 = arith.constant 0 : i32
      %lt3A_93 = arith.cmpi slt, %select_n3A_87, %lt3A_92 : i32
      %ne3A_94 = arith.xori %lt3A_91, %lt3A_93 : i1
      %and3A_95 = arith.andi %ne3A_94, %ne3A_90 : i1
      %add3A_96 = arith.addi %rem3A_88, %select_n3A_87 : i32
      %select_n3A_97 = arith.select %and3A_95, %add3A_96, %rem3A_88 : i32
      %mul3A_98 = arith.constant 16 : i32
      %mul3A_99 = arith.muli %select_n3A_97, %mul3A_98 : i32
      %swap3A = arith.constant 0 : i32
      %swap3A_100 = arith.index_cast %swap3A : i32 to index
      %swap3A_101 = arith.index_cast %select_n3A : i32 to index
      %swap3A_102 = arith.index_cast %mul3A_99 : i32 to index
      %swap3A_103 = tpu.vector_load %arg8[%swap3A_100, %swap3A_101, %swap3A_102] {strides = array<i32>} : memref<2x128x128xf32, #tpu.memory_space<vmem>>, vector<1x1x16xf32>,
      %swap3A_104 = vector.shape_cast %swap3A_103 : vector<1x1x16xf32> to vector<16xf32>
      %swap3A_105 = vector.shape_cast %broadcast_in_dim3A_3 : vector<16xf32> to vector<1x1x16xf32>
      tpu.vector_store %arg8[%swap3A_100, %swap3A_101, %swap3A_102], %swap3A_105 {strides = array<i32>} : memref<2x128x128xf32, #tpu.memory_space<vmem>>, vector<1x1x16xf32>,
    }
    %scan3A_8 = arith.constant 1024 : i32
    %add3A_9 = arith.constant 0 : i32
    %add3A_10 = arith.addi %mul3A_2, %add3A_9 : i32
    %run_scoped3A = arith.constant 0 : i32
    "tpu.region"() ({
      %run_scoped3A_67 = tpu.sem_alloc : memref<!tpu.dma_semaphore, #tpu.memory_space<semaphore_mem>>
      %dma_start3A_68 = arith.constant 0 : i32
      %dma_start3A_69 = arith.constant 0 : i32
      %dma_start3A_70 = tpu.memref_slice %arg8[%run_scoped3A, %dma_start3A_68, %dma_start3A_69] : memref<2x128x128xf32, #tpu.memory_space<vmem>> -> memref<1x128x128xf32, #tpu.memory_space<vmem>>
      %dma_start3A_71 = tpu.memref_squeeze %dma_start3A_70 : memref<1x128x128xf32, #tpu.memory_space<vmem>> -> memref<128x128xf32, #tpu.memory_space<vmem>>
      %dma_start3A_72 = arith.constant 0 : i32
      %dma_start3A_73 = tpu.memref_slice %arg9[%add3A_10, %dma_start3A_72] : memref<10112x128xf32, #tpu.memory_space<vmem_shared>> -> memref<128x128xf32, #tpu.memory_space<vmem_shared>>
      %dma_start3A_74 = arith.constant 0 : i32
      %dma_start3A_75 = tpu.memref_slice %arg9[%add3A_10, %dma_start3A_74] : memref<10112x128xf32, #tpu.memory_space<vmem_shared>> -> memref<128x128xf32, #tpu.memory_space<vmem_shared>>
      %dma_start3A_76 = arith.constant 0 : i32
      %dma_start3A_77 = arith.constant 0 : i32
      %dma_start3A_78 = tpu.memref_slice %arg8[%run_scoped3A, %dma_start3A_76, %dma_start3A_77] : memref<2x128x128xf32, #tpu.memory_space<vmem>> -> memref<1x128x128xf32, #tpu.memory_space<vmem>>
      %dma_start3A_79 = tpu.memref_squeeze %dma_start3A_78 : memref<1x128x128xf32, #tpu.memory_space<vmem>> -> memref<128x128xf32, #tpu.memory_space<vmem>>
      tpu.enqueue_dma source(%dma_start3A_79 : memref<128x128xf32, #tpu.memory_space<vmem>>) target(%dma_start3A_75 : memref<128x128xf32, #tpu.memory_space<vmem_shared>>) target_semaphore(%run_scoped3A_67 : memref<!tpu.dma_semaphore, #tpu.memory_space<semaphore_mem>>)
      %dma_wait3A = arith.constant 0 : i32
      %dma_wait3A_80 = arith.constant 0 : i32
      %dma_wait3A_81 = tpu.memref_slice %arg8[%run_scoped3A, %dma_wait3A, %dma_wait3A_80] : memref<2x128x128xf32, #tpu.memory_space<vmem>> -> memref<1x128x128xf32, #tpu.memory_space<vmem>>
      %dma_wait3A_82 = tpu.memref_squeeze %dma_wait3A_81 : memref<1x128x128xf32, #tpu.memory_space<vmem>> -> memref<128x128xf32, #tpu.memory_space<vmem>>
      %dma_wait3A_83 = arith.constant 0 : i32
      %dma_wait3A_84 = tpu.memref_slice %arg9[%add3A_10, %dma_wait3A_83] : memref<10112x128xf32, #tpu.memory_space<vmem_shared>> -> memref<128x128xf32, #tpu.memory_space<vmem_shared>>
      %dma_wait3A_85 = arith.constant 0 : i32
      %dma_wait3A_86 = tpu.memref_slice %arg9[%add3A_10, %dma_wait3A_85] : memref<10112x128xf32, #tpu.memory_space<vmem_shared>> -> memref<128x128xf32, #tpu.memory_space<vmem_shared>>
      %dma_wait3A_87 = arith.constant 0 : i32
      %dma_wait3A_88 = arith.constant 0 : i32
      %dma_wait3A_89 = tpu.memref_slice %arg8[%run_scoped3A, %dma_wait3A_87, %dma_wait3A_88] : memref<2x128x128xf32, #tpu.memory_space<vmem>> -> memref<1x128x128xf32, #tpu.memory_space<vmem>>
      %dma_wait3A_90 = tpu.memref_squeeze %dma_wait3A_89 : memref<1x128x128xf32, #tpu.memory_space<vmem>> -> memref<128x128xf32, #tpu.memory_space<vmem>>
      tpu.wait_dma2 semaphore(%run_scoped3A_67 : memref<!tpu.dma_semaphore, #tpu.memory_space<semaphore_mem>>) src(%dma_wait3A_90 : memref<128x128xf32, #tpu.memory_space<vmem>>) dst(%dma_wait3A_86 : memref<128x128xf32, #tpu.memory_space<vmem_shared>>)
      tpu.yield
    }) : () -> ()
    %add3A_11 = arith.constant 128 : i32
    %add3A_12 = arith.addi %mul3A_2, %add3A_11 : i32
    %run_scoped3A_13 = arith.constant 0 : i32
    "tpu.region"() ({
      %run_scoped3A_67 = tpu.sem_alloc : memref<!tpu.dma_semaphore, #tpu.memory_space<semaphore_mem>>
      %dma_start3A_68 = arith.constant 0 : i32
      %dma_start3A_69 = arith.constant 0 : i32
      %dma_start3A_70 = tpu.memref_slice %arg8[%run_scoped3A_13, %dma_start3A_68, %dma_start3A_69] : memref<2x128x128xf32, #tpu.memory_space<vmem>> -> memref<1x128x128xf32, #tpu.memory_space<vmem>>
      %dma_start3A_71 = tpu.memref_squeeze %dma_start3A_70 : memref<1x128x128xf32, #tpu.memory_space<vmem>> -> memref<128x128xf32, #tpu.memory_space<vmem>>
      %dma_start3A_72 = arith.constant 0 : i32
      %dma_start3A_73 = tpu.memref_slice %arg9[%add3A_12, %dma_start3A_72] : memref<10112x128xf32, #tpu.memory_space<vmem_shared>> -> memref<128x128xf32, #tpu.memory_space<vmem_shared>>
      %dma_start3A_74 = arith.constant 0 : i32
      %dma_start3A_75 = tpu.memref_slice %arg9[%add3A_12, %dma_start3A_74] : memref<10112x128xf32, #tpu.memory_space<vmem_shared>> -> memref<128x128xf32, #tpu.memory_space<vmem_shared>>
      %dma_start3A_76 = arith.constant 0 : i32
      %dma_start3A_77 = arith.constant 0 : i32
      %dma_start3A_78 = tpu.memref_slice %arg8[%run_scoped3A_13, %dma_start3A_76, %dma_start3A_77] : memref<2x128x128xf32, #tpu.memory_space<vmem>> -> memref<1x128x128xf32, #tpu.memory_space<vmem>>
      %dma_start3A_79 = tpu.memref_squeeze %dma_start3A_78 : memref<1x128x128xf32, #tpu.memory_space<vmem>> -> memref<128x128xf32, #tpu.memory_space<vmem>>
      tpu.enqueue_dma source(%dma_start3A_79 : memref<128x128xf32, #tpu.memory_space<vmem>>) target(%dma_start3A_75 : memref<128x128xf32, #tpu.memory_space<vmem_shared>>) target_semaphore(%run_scoped3A_67 : memref<!tpu.dma_semaphore, #tpu.memory_space<semaphore_mem>>)
      %dma_wait3A = arith.constant 0 : i32
      %dma_wait3A_80 = arith.constant 0 : i32
      %dma_wait3A_81 = tpu.memref_slice %arg8[%run_scoped3A_13, %dma_wait3A, %dma_wait3A_80] : memref<2x128x128xf32, #tpu.memory_space<vmem>> -> memref<1x128x128xf32, #tpu.memory_space<vmem>>
      %dma_wait3A_82 = tpu.memref_squeeze %dma_wait3A_81 : memref<1x128x128xf32, #tpu.memory_space<vmem>> -> memref<128x128xf32, #tpu.memory_space<vmem>>
      %dma_wait3A_83 = arith.constant 0 : i32
      %dma_wait3A_84 = tpu.memref_slice %arg9[%add3A_12, %dma_wait3A_83] : memref<10112x128xf32, #tpu.memory_space<vmem_shared>> -> memref<128x128xf32, #tpu.memory_space<vmem_shared>>
      %dma_wait3A_85 = arith.constant 0 : i32
      %dma_wait3A_86 = tpu.memref_slice %arg9[%add3A_12, %dma_wait3A_85] : memref<10112x128xf32, #tpu.memory_space<vmem_shared>> -> memref<128x128xf32, #tpu.memory_space<vmem_shared>>
      %dma_wait3A_87 = arith.constant 0 : i32
      %dma_wait3A_88 = arith.constant 0 : i32
      %dma_wait3A_89 = tpu.memref_slice %arg8[%run_scoped3A_13, %dma_wait3A_87, %dma_wait3A_88] : memref<2x128x128xf32, #tpu.memory_space<vmem>> -> memref<1x128x128xf32, #tpu.memory_space<vmem>>
      %dma_wait3A_90 = tpu.memref_squeeze %dma_wait3A_89 : memref<1x128x128xf32, #tpu.memory_space<vmem>> -> memref<128x128xf32, #tpu.memory_space<vmem>>
      tpu.wait_dma2 semaphore(%run_scoped3A_67 : memref<!tpu.dma_semaphore, #tpu.memory_space<semaphore_mem>>) src(%dma_wait3A_90 : memref<128x128xf32, #tpu.memory_space<vmem>>) dst(%dma_wait3A_86 : memref<128x128xf32, #tpu.memory_space<vmem_shared>>)
      tpu.yield
    }) : () -> ()
    %add3A_14 = arith.constant 256 : i32
    %add3A_15 = arith.addi %mul3A_2, %add3A_14 : i32
    %run_scoped3A_16 = arith.constant 0 : i32
    "tpu.region"() ({
      %run_scoped3A_67 = tpu.sem_alloc : memref<!tpu.dma_semaphore, #tpu.memory_space<semaphore_mem>>
      %dma_start3A_68 = arith.constant 0 : i32
      %dma_start3A_69 = arith.constant 0 : i32
      %dma_start3A_70 = tpu.memref_slice %arg8[%run_scoped3A_16, %dma_start3A_68, %dma_start3A_69] : memref<2x128x128xf32, #tpu.memory_space<vmem>> -> memref<1x128x128xf32, #tpu.memory_space<vmem>>
      %dma_start3A_71 = tpu.memref_squeeze %dma_start3A_70 : memref<1x128x128xf32, #tpu.memory_space<vmem>> -> memref<128x128xf32, #tpu.memory_space<vmem>>
      %dma_start3A_72 = arith.constant 0 : i32
      %dma_start3A_73 = tpu.memref_slice %arg9[%add3A_15, %dma_start3A_72] : memref<10112x128xf32, #tpu.memory_space<vmem_shared>> -> memref<128x128xf32, #tpu.memory_space<vmem_shared>>
      %dma_start3A_74 = arith.constant 0 : i32
      %dma_start3A_75 = tpu.memref_slice %arg9[%add3A_15, %dma_start3A_74] : memref<10112x128xf32, #tpu.memory_space<vmem_shared>> -> memref<128x128xf32, #tpu.memory_space<vmem_shared>>
      %dma_start3A_76 = arith.constant 0 : i32
      %dma_start3A_77 = arith.constant 0 : i32
      %dma_start3A_78 = tpu.memref_slice %arg8[%run_scoped3A_16, %dma_start3A_76, %dma_start3A_77] : memref<2x128x128xf32, #tpu.memory_space<vmem>> -> memref<1x128x128xf32, #tpu.memory_space<vmem>>
      %dma_start3A_79 = tpu.memref_squeeze %dma_start3A_78 : memref<1x128x128xf32, #tpu.memory_space<vmem>> -> memref<128x128xf32, #tpu.memory_space<vmem>>
      tpu.enqueue_dma source(%dma_start3A_79 : memref<128x128xf32, #tpu.memory_space<vmem>>) target(%dma_start3A_75 : memref<128x128xf32, #tpu.memory_space<vmem_shared>>) target_semaphore(%run_scoped3A_67 : memref<!tpu.dma_semaphore, #tpu.memory_space<semaphore_mem>>)
      %dma_wait3A = arith.constant 0 : i32
      %dma_wait3A_80 = arith.constant 0 : i32
      %dma_wait3A_81 = tpu.memref_slice %arg8[%run_scoped3A_16, %dma_wait3A, %dma_wait3A_80] : memref<2x128x128xf32, #tpu.memory_space<vmem>> -> memref<1x128x128xf32, #tpu.memory_space<vmem>>
      %dma_wait3A_82 = tpu.memref_squeeze %dma_wait3A_81 : memref<1x128x128xf32, #tpu.memory_space<vmem>> -> memref<128x128xf32, #tpu.memory_space<vmem>>
      %dma_wait3A_83 = arith.constant 0 : i32
      %dma_wait3A_84 = tpu.memref_slice %arg9[%add3A_15, %dma_wait3A_83] : memref<10112x128xf32, #tpu.memory_space<vmem_shared>> -> memref<128x128xf32, #tpu.memory_space<vmem_shared>>
      %dma_wait3A_85 = arith.constant 0 : i32
      %dma_wait3A_86 = tpu.memref_slice %arg9[%add3A_15, %dma_wait3A_85] : memref<10112x128xf32, #tpu.memory_space<vmem_shared>> -> memref<128x128xf32, #tpu.memory_space<vmem_shared>>
      %dma_wait3A_87 = arith.constant 0 : i32
      %dma_wait3A_88 = arith.constant 0 : i32
      %dma_wait3A_89 = tpu.memref_slice %arg8[%run_scoped3A_16, %dma_wait3A_87, %dma_wait3A_88] : memref<2x128x128xf32, #tpu.memory_space<vmem>> -> memref<1x128x128xf32, #tpu.memory_space<vmem>>
      %dma_wait3A_90 = tpu.memref_squeeze %dma_wait3A_89 : memref<1x128x128xf32, #tpu.memory_space<vmem>> -> memref<128x128xf32, #tpu.memory_space<vmem>>
      tpu.wait_dma2 semaphore(%run_scoped3A_67 : memref<!tpu.dma_semaphore, #tpu.memory_space<semaphore_mem>>) src(%dma_wait3A_90 : memref<128x128xf32, #tpu.memory_space<vmem>>) dst(%dma_wait3A_86 : memref<128x128xf32, #tpu.memory_space<vmem_shared>>)
      tpu.yield
    }) : () -> ()
    %add3A_17 = arith.constant 384 : i32
    %add3A_18 = arith.addi %mul3A_2, %add3A_17 : i32
    %run_scoped3A_19 = arith.constant 0 : i32
    "tpu.region"() ({
      %run_scoped3A_67 = tpu.sem_alloc : memref<!tpu.dma_semaphore, #tpu.memory_space<semaphore_mem>>
      %dma_start3A_68 = arith.constant 0 : i32
      %dma_start3A_69 = arith.constant 0 : i32
      %dma_start3A_70 = tpu.memref_slice %arg8[%run_scoped3A_19, %dma_start3A_68, %dma_start3A_69] : memref<2x128x128xf32, #tpu.memory_space<vmem>> -> memref<1x128x128xf32, #tpu.memory_space<vmem>>
      %dma_start3A_71 = tpu.memref_squeeze %dma_start3A_70 : memref<1x128x128xf32, #tpu.memory_space<vmem>> -> memref<128x128xf32, #tpu.memory_space<vmem>>
      %dma_start3A_72 = arith.constant 0 : i32
      %dma_start3A_73 = tpu.memref_slice %arg9[%add3A_18, %dma_start3A_72] : memref<10112x128xf32, #tpu.memory_space<vmem_shared>> -> memref<128x128xf32, #tpu.memory_space<vmem_shared>>
      %dma_start3A_74 = arith.constant 0 : i32
      %dma_start3A_75 = tpu.memref_slice %arg9[%add3A_18, %dma_start3A_74] : memref<10112x128xf32, #tpu.memory_space<vmem_shared>> -> memref<128x128xf32, #tpu.memory_space<vmem_shared>>
      %dma_start3A_76 = arith.constant 0 : i32
      %dma_start3A_77 = arith.constant 0 : i32
      %dma_start3A_78 = tpu.memref_slice %arg8[%run_scoped3A_19, %dma_start3A_76, %dma_start3A_77] : memref<2x128x128xf32, #tpu.memory_space<vmem>> -> memref<1x128x128xf32, #tpu.memory_space<vmem>>
      %dma_start3A_79 = tpu.memref_squeeze %dma_start3A_78 : memref<1x128x128xf32, #tpu.memory_space<vmem>> -> memref<128x128xf32, #tpu.memory_space<vmem>>
      tpu.enqueue_dma source(%dma_start3A_79 : memref<128x128xf32, #tpu.memory_space<vmem>>) target(%dma_start3A_75 : memref<128x128xf32, #tpu.memory_space<vmem_shared>>) target_semaphore(%run_scoped3A_67 : memref<!tpu.dma_semaphore, #tpu.memory_space<semaphore_mem>>)
      %dma_wait3A = arith.constant 0 : i32
      %dma_wait3A_80 = arith.constant 0 : i32
      %dma_wait3A_81 = tpu.memref_slice %arg8[%run_scoped3A_19, %dma_wait3A, %dma_wait3A_80] : memref<2x128x128xf32, #tpu.memory_space<vmem>> -> memref<1x128x128xf32, #tpu.memory_space<vmem>>
      %dma_wait3A_82 = tpu.memref_squeeze %dma_wait3A_81 : memref<1x128x128xf32, #tpu.memory_space<vmem>> -> memref<128x128xf32, #tpu.memory_space<vmem>>
      %dma_wait3A_83 = arith.constant 0 : i32
      %dma_wait3A_84 = tpu.memref_slice %arg9[%add3A_18, %dma_wait3A_83] : memref<10112x128xf32, #tpu.memory_space<vmem_shared>> -> memref<128x128xf32, #tpu.memory_space<vmem_shared>>
      %dma_wait3A_85 = arith.constant 0 : i32
      %dma_wait3A_86 = tpu.memref_slice %arg9[%add3A_18, %dma_wait3A_85] : memref<10112x128xf32, #tpu.memory_space<vmem_shared>> -> memref<128x128xf32, #tpu.memory_space<vmem_shared>>
      %dma_wait3A_87 = arith.constant 0 : i32
      %dma_wait3A_88 = arith.constant 0 : i32
      %dma_wait3A_89 = tpu.memref_slice %arg8[%run_scoped3A_19, %dma_wait3A_87, %dma_wait3A_88] : memref<2x128x128xf32, #tpu.memory_space<vmem>> -> memref<1x128x128xf32, #tpu.memory_space<vmem>>
      %dma_wait3A_90 = tpu.memref_squeeze %dma_wait3A_89 : memref<1x128x128xf32, #tpu.memory_space<vmem>> -> memref<128x128xf32, #tpu.memory_space<vmem>>
      tpu.wait_dma2 semaphore(%run_scoped3A_67 : memref<!tpu.dma_semaphore, #tpu.memory_space<semaphore_mem>>) src(%dma_wait3A_90 : memref<128x128xf32, #tpu.memory_space<vmem>>) dst(%dma_wait3A_86 : memref<128x128xf32, #tpu.memory_space<vmem_shared>>)
      tpu.yield
    }) : () -> ()
    %add3A_20 = arith.constant 512 : i32
    %add3A_21 = arith.addi %mul3A_2, %add3A_20 : i32
    %run_scoped3A_22 = arith.constant 0 : i32
    "tpu.region"() ({
      %run_scoped3A_67 = tpu.sem_alloc : memref<!tpu.dma_semaphore, #tpu.memory_space<semaphore_mem>>
      %dma_start3A_68 = arith.constant 0 : i32
      %dma_start3A_69 = arith.constant 0 : i32
      %dma_start3A_70 = tpu.memref_slice %arg8[%run_scoped3A_22, %dma_start3A_68, %dma_start3A_69] : memref<2x128x128xf32, #tpu.memory_space<vmem>> -> memref<1x120x128xf32, #tpu.memory_space<vmem>>
      %dma_start3A_71 = tpu.memref_squeeze %dma_start3A_70 : memref<1x120x128xf32, #tpu.memory_space<vmem>> -> memref<120x128xf32, #tpu.memory_space<vmem>>
      %dma_start3A_72 = arith.constant 0 : i32
      %dma_start3A_73 = tpu.memref_slice %arg9[%add3A_21, %dma_start3A_72] : memref<10112x128xf32, #tpu.memory_space<vmem_shared>> -> memref<120x128xf32, #tpu.memory_space<vmem_shared>>
      %dma_start3A_74 = arith.constant 0 : i32
      %dma_start3A_75 = tpu.memref_slice %arg9[%add3A_21, %dma_start3A_74] : memref<10112x128xf32, #tpu.memory_space<vmem_shared>> -> memref<120x128xf32, #tpu.memory_space<vmem_shared>>
      %dma_start3A_76 = arith.constant 0 : i32
      %dma_start3A_77 = arith.constant 0 : i32
      %dma_start3A_78 = tpu.memref_slice %arg8[%run_scoped3A_22, %dma_start3A_76, %dma_start3A_77] : memref<2x128x128xf32, #tpu.memory_space<vmem>> -> memref<1x120x128xf32, #tpu.memory_space<vmem>>
      %dma_start3A_79 = tpu.memref_squeeze %dma_start3A_78 : memref<1x120x128xf32, #tpu.memory_space<vmem>> -> memref<120x128xf32, #tpu.memory_space<vmem>>
      tpu.enqueue_dma source(%dma_start3A_79 : memref<120x128xf32, #tpu.memory_space<vmem>>) target(%dma_start3A_75 : memref<120x128xf32, #tpu.memory_space<vmem_shared>>) target_semaphore(%run_scoped3A_67 : memref<!tpu.dma_semaphore, #tpu.memory_space<semaphore_mem>>)
      %dma_wait3A = arith.constant 0 : i32
      %dma_wait3A_80 = arith.constant 0 : i32
      %dma_wait3A_81 = tpu.memref_slice %arg8[%run_scoped3A_22, %dma_wait3A, %dma_wait3A_80] : memref<2x128x128xf32, #tpu.memory_space<vmem>> -> memref<1x120x128xf32, #tpu.memory_space<vmem>>
      %dma_wait3A_82 = tpu.memref_squeeze %dma_wait3A_81 : memref<1x120x128xf32, #tpu.memory_space<vmem>> -> memref<120x128xf32, #tpu.memory_space<vmem>>
      %dma_wait3A_83 = arith.constant 0 : i32
      %dma_wait3A_84 = tpu.memref_slice %arg9[%add3A_21, %dma_wait3A_83] : memref<10112x128xf32, #tpu.memory_space<vmem_shared>> -> memref<120x128xf32, #tpu.memory_space<vmem_shared>>
      %dma_wait3A_85 = arith.constant 0 : i32
      %dma_wait3A_86 = tpu.memref_slice %arg9[%add3A_21, %dma_wait3A_85] : memref<10112x128xf32, #tpu.memory_space<vmem_shared>> -> memref<120x128xf32, #tpu.memory_space<vmem_shared>>
      %dma_wait3A_87 = arith.constant 0 : i32
      %dma_wait3A_88 = arith.constant 0 : i32
      %dma_wait3A_89 = tpu.memref_slice %arg8[%run_scoped3A_22, %dma_wait3A_87, %dma_wait3A_88] : memref<2x128x128xf32, #tpu.memory_space<vmem>> -> memref<1x120x128xf32, #tpu.memory_space<vmem>>
      %dma_wait3A_90 = tpu.memref_squeeze %dma_wait3A_89 : memref<1x120x128xf32, #tpu.memory_space<vmem>> -> memref<120x128xf32, #tpu.memory_space<vmem>>
      tpu.wait_dma2 semaphore(%run_scoped3A_67 : memref<!tpu.dma_semaphore, #tpu.memory_space<semaphore_mem>>) src(%dma_wait3A_90 : memref<120x128xf32, #tpu.memory_space<vmem>>) dst(%dma_wait3A_86 : memref<120x128xf32, #tpu.memory_space<vmem_shared>>)
      tpu.yield
    }) : () -> ()
    %barrier3A = arith.constant 0 : index
    tpu.barrier barrier_id(%barrier3A)
    %mul3A_23 = arith.constant 80 : i32
    %mul3A_24 = arith.muli %add3A, %mul3A_23 : i32
    %add3A_25 = arith.constant 0 : i32
    %add3A_26 = arith.addi %mul3A_24, %add3A_25 : i32
    "tpu.region"() ({
      %run_scoped3A_67 = tpu.sem_alloc : memref<!tpu.dma_semaphore, #tpu.memory_space<semaphore_mem>>
      %dma_start3A_68 = arith.constant 0 : i32
      %dma_start3A_69 = tpu.memref_slice %arg3[%add3A_26, %dma_start3A_68] : memref<2560x128xi32, #tpu.memory_space<hbm>> -> memref<40x128xi32, #tpu.memory_space<hbm>>
      %dma_start3A_70 = arith.constant 0 : i32
      %dma_start3A_71 = tpu.memref_slice %arg3[%add3A_26, %dma_start3A_70] : memref<2560x128xi32, #tpu.memory_space<hbm>> -> memref<40x128xi32, #tpu.memory_space<hbm>>
      tpu.enqueue_dma source(%dma_start3A_71 : memref<40x128xi32, #tpu.memory_space<hbm>>) target(%arg6 : memref<40x128xi32, #tpu.memory_space<vmem>>) target_semaphore(%run_scoped3A_67 : memref<!tpu.dma_semaphore, #tpu.memory_space<semaphore_mem>>)
      %dma_wait3A = arith.constant 0 : i32
      %dma_wait3A_72 = tpu.memref_slice %arg3[%add3A_26, %dma_wait3A] : memref<2560x128xi32, #tpu.memory_space<hbm>> -> memref<40x128xi32, #tpu.memory_space<hbm>>
      %dma_wait3A_73 = arith.constant 0 : i32
      %dma_wait3A_74 = tpu.memref_slice %arg3[%add3A_26, %dma_wait3A_73] : memref<2560x128xi32, #tpu.memory_space<hbm>> -> memref<40x128xi32, #tpu.memory_space<hbm>>
      tpu.wait_dma2 semaphore(%run_scoped3A_67 : memref<!tpu.dma_semaphore, #tpu.memory_space<semaphore_mem>>) src(%dma_wait3A_74 : memref<40x128xi32, #tpu.memory_space<hbm>>) dst(%arg6 : memref<40x128xi32, #tpu.memory_space<vmem>>)
      tpu.yield
    }) : () -> ()
    "tpu.region"() ({
      %run_scoped3A_67 = tpu.sem_alloc : memref<!tpu.dma_semaphore, #tpu.memory_space<semaphore_mem>>
      %dma_start3A_68 = arith.constant 0 : i32
      %dma_start3A_69 = tpu.memref_slice %arg4[%add3A_26, %dma_start3A_68] : memref<2560x128xi32, #tpu.memory_space<hbm>> -> memref<40x128xi32, #tpu.memory_space<hbm>>
      %dma_start3A_70 = arith.constant 0 : i32
      %dma_start3A_71 = tpu.memref_slice %arg4[%add3A_26, %dma_start3A_70] : memref<2560x128xi32, #tpu.memory_space<hbm>> -> memref<40x128xi32, #tpu.memory_space<hbm>>
      tpu.enqueue_dma source(%dma_start3A_71 : memref<40x128xi32, #tpu.memory_space<hbm>>) target(%arg7 : memref<40x128xi32, #tpu.memory_space<vmem>>) target_semaphore(%run_scoped3A_67 : memref<!tpu.dma_semaphore, #tpu.memory_space<semaphore_mem>>)
      %dma_wait3A = arith.constant 0 : i32
      %dma_wait3A_72 = tpu.memref_slice %arg4[%add3A_26, %dma_wait3A] : memref<2560x128xi32, #tpu.memory_space<hbm>> -> memref<40x128xi32, #tpu.memory_space<hbm>>
      %dma_wait3A_73 = arith.constant 0 : i32
      %dma_wait3A_74 = tpu.memref_slice %arg4[%add3A_26, %dma_wait3A_73] : memref<2560x128xi32, #tpu.memory_space<hbm>> -> memref<40x128xi32, #tpu.memory_space<hbm>>
      tpu.wait_dma2 semaphore(%run_scoped3A_67 : memref<!tpu.dma_semaphore, #tpu.memory_space<semaphore_mem>>) src(%dma_wait3A_74 : memref<40x128xi32, #tpu.memory_space<hbm>>) dst(%arg7 : memref<40x128xi32, #tpu.memory_space<vmem>>)
      tpu.yield
    }) : () -> ()
    %dma_start3A = arith.constant 0 : i32
    %dma_start3A_27 = arith.constant 0 : i32
    %dma_start3A_28 = arith.constant 0 : i32
    %dma_start3A_29 = arith.constant 0 : i32
    %dma_start3A_30 = tpu.memref_slice %arg8[%dma_start3A_27, %dma_start3A_28, %dma_start3A_29] : memref<2x128x128xf32, #tpu.memory_space<vmem>> -> memref<1x128x128xf32, #tpu.memory_space<vmem>>
    %dma_start3A_31 = tpu.memref_squeeze %dma_start3A_30 : memref<1x128x128xf32, #tpu.memory_space<vmem>> -> memref<128x128xf32, #tpu.memory_space<vmem>>
    %dma_start3A_32 = arith.constant 0 : i32
    %dma_start3A_33 = tpu.memref_slice %arg6[%dma_start3A, %dma_start3A_32] : memref<40x128xi32, #tpu.memory_space<vmem>> -> memref<1x128xi32, #tpu.memory_space<vmem>>
    %dma_start3A_34 = tpu.memref_squeeze %dma_start3A_33 : memref<1x128xi32, #tpu.memory_space<vmem>> -> memref<128xi32, #tpu.memory_space<vmem>>
    %dma_start3A_35 = arith.constant 0 : i32
    %dma_start3A_36 = arith.constant 0 : i32
    %dma_start3A_37 = tpu.memref_slice %arg2[%dma_start3A_35, %dma_start3A_36] : memref<10000x128xf32, #tpu.memory_space<hbm>> -> memref<10000x128xf32, #tpu.memory_space<hbm>>
    tpu.enqueue_indirect_dma source(%dma_start3A_37 : memref<10000x128xf32, #tpu.memory_space<hbm>>) target(%dma_start3A_31 : memref<128x128xf32, #tpu.memory_space<vmem>>) offsets(%dma_start3A_34 : memref<128xi32, #tpu.memory_space<vmem>>) semaphore(%arg10 : memref<!tpu.dma_semaphore, #tpu.memory_space<semaphore_mem>>)
    %scan3A_38 = arith.constant 0 : i32
    %scan3A_39 = arith.constant 0 : i32
    %scan3A_40 = arith.constant 40 : i32
    %scan3A_41 = arith.addi %scan3A_39, %scan3A_40 : i32
    %scan3A_42 = arith.constant 1 : i32
    scf.for %scan3A_67 = %scan3A_39 to %scan3A_41 step %scan3A_42  : i32 {
      %rem3A = arith.constant 2 : i32
      %rem3A_68 = arith.remsi %scan3A_67, %rem3A : i32
      %dma_wait3A = arith.constant 0 : i32
      %dma_wait3A_69 = arith.constant 0 : i32
      %dma_wait3A_70 = tpu.memref_slice %arg8[%rem3A_68, %dma_wait3A, %dma_wait3A_69] : memref<2x128x128xf32, #tpu.memory_space<vmem>> -> memref<1x128x128xf32, #tpu.memory_space<vmem>>
      %dma_wait3A_71 = tpu.memref_squeeze %dma_wait3A_70 : memref<1x128x128xf32, #tpu.memory_space<vmem>> -> memref<128x128xf32, #tpu.memory_space<vmem>>
      %dma_wait3A_72 = arith.constant 0 : i32
      %dma_wait3A_73 = tpu.memref_slice %arg6[%scan3A_67, %dma_wait3A_72] : memref<40x128xi32, #tpu.memory_space<vmem>> -> memref<1x128xi32, #tpu.memory_space<vmem>>
      %dma_wait3A_74 = tpu.memref_squeeze %dma_wait3A_73 : memref<1x128xi32, #tpu.memory_space<vmem>> -> memref<128xi32, #tpu.memory_space<vmem>>
      %dma_wait3A_75 = arith.constant 0 : i32
      %dma_wait3A_76 = arith.constant 0 : i32
      %dma_wait3A_77 = tpu.memref_slice %arg2[%dma_wait3A_75, %dma_wait3A_76] : memref<10000x128xf32, #tpu.memory_space<hbm>> -> memref<10000x128xf32, #tpu.memory_space<hbm>>
      tpu.wait_indirect_dma semaphore(%arg10 : memref<!tpu.dma_semaphore, #tpu.memory_space<semaphore_mem>>) src(%dma_wait3A_77 : memref<10000x128xf32, #tpu.memory_space<hbm>>) dst(%dma_wait3A_71 : memref<128x128xf32, #tpu.memory_space<vmem>>)
      %add3A_78 = arith.constant 1 : i32
      %add3A_79 = arith.addi %scan3A_67, %add3A_78 : i32
      %lt3A = arith.constant 40 : i32
      %lt3A_80 = arith.cmpi slt, %add3A_79, %lt3A : i32
      %convert_element_type3A = arith.extui %lt3A_80 : i1 to i32
      %cond3A = arith.constant 0 : i32
      %cond3A_81 = arith.cmpi ne, %convert_element_type3A, %cond3A : i32
      scf.if %cond3A_81 {
        %add3A_82 = arith.constant 1 : i32
        %add3A_83 = arith.addi %scan3A_67, %add3A_82 : i32
        %sub3A = arith.constant 1 : i32
        %sub3A_84 = arith.subi %sub3A, %rem3A_68 : i32
        %dma_start3A_85 = arith.constant 0 : i32
        %dma_start3A_86 = arith.constant 0 : i32
        %dma_start3A_87 = tpu.memref_slice %arg8[%sub3A_84, %dma_start3A_85, %dma_start3A_86] : memref<2x128x128xf32, #tpu.memory_space<vmem>> -> memref<1x128x128xf32, #tpu.memory_space<vmem>>
        %dma_start3A_88 = tpu.memref_squeeze %dma_start3A_87 : memref<1x128x128xf32, #tpu.memory_space<vmem>> -> memref<128x128xf32, #tpu.memory_space<vmem>>
        %dma_start3A_89 = arith.constant 0 : i32
        %dma_start3A_90 = tpu.memref_slice %arg6[%add3A_83, %dma_start3A_89] : memref<40x128xi32, #tpu.memory_space<vmem>> -> memref<1x128xi32, #tpu.memory_space<vmem>>
        %dma_start3A_91 = tpu.memref_squeeze %dma_start3A_90 : memref<1x128xi32, #tpu.memory_space<vmem>> -> memref<128xi32, #tpu.memory_space<vmem>>
        %dma_start3A_92 = arith.constant 0 : i32
        %dma_start3A_93 = arith.constant 0 : i32
        %dma_start3A_94 = tpu.memref_slice %arg2[%dma_start3A_92, %dma_start3A_93] : memref<10000x128xf32, #tpu.memory_space<hbm>> -> memref<10000x128xf32, #tpu.memory_space<hbm>>
        tpu.enqueue_indirect_dma source(%dma_start3A_94 : memref<10000x128xf32, #tpu.memory_space<hbm>>) target(%dma_start3A_88 : memref<128x128xf32, #tpu.memory_space<vmem>>) offsets(%dma_start3A_91 : memref<128xi32, #tpu.memory_space<vmem>>) semaphore(%arg10 : memref<!tpu.dma_semaphore, #tpu.memory_space<semaphore_mem>>)
      } else {
      }
      "tpu.region"() ({
        %run_scoped3A_82 = tpu.sem_alloc : memref<!tpu.dma_semaphore, #tpu.memory_space<semaphore_mem>>
        %dma_start3A_83 = arith.constant 0 : i32
        %dma_start3A_84 = arith.constant 0 : i32
        %dma_start3A_85 = tpu.memref_slice %arg8[%rem3A_68, %dma_start3A_83, %dma_start3A_84] : memref<2x128x128xf32, #tpu.memory_space<vmem>> -> memref<1x128x128xf32, #tpu.memory_space<vmem>>
        %dma_start3A_86 = tpu.memref_squeeze %dma_start3A_85 : memref<1x128x128xf32, #tpu.memory_space<vmem>> -> memref<128x128xf32, #tpu.memory_space<vmem>>
        %dma_start3A_87 = arith.constant 0 : i32
        %dma_start3A_88 = tpu.memref_slice %arg7[%scan3A_67, %dma_start3A_87] : memref<40x128xi32, #tpu.memory_space<vmem>> -> memref<1x128xi32, #tpu.memory_space<vmem>>
        %dma_start3A_89 = tpu.memref_squeeze %dma_start3A_88 : memref<1x128xi32, #tpu.memory_space<vmem>> -> memref<128xi32, #tpu.memory_space<vmem>>
        %dma_start3A_90 = arith.constant 0 : i32
        %dma_start3A_91 = arith.constant 0 : i32
        %dma_start3A_92 = tpu.memref_slice %arg9[%dma_start3A_90, %dma_start3A_91] : memref<10112x128xf32, #tpu.memory_space<vmem_shared>> -> memref<10112x128xf32, #tpu.memory_space<vmem_shared>>
        tpu.enqueue_indirect_dma source(%dma_start3A_86 : memref<128x128xf32, #tpu.memory_space<vmem>>) target(%dma_start3A_92 : memref<10112x128xf32, #tpu.memory_space<vmem_shared>>) offsets(%dma_start3A_89 : memref<128xi32, #tpu.memory_space<vmem>>) semaphore(%run_scoped3A_82 : memref<!tpu.dma_semaphore, #tpu.memory_space<semaphore_mem>>) {add = true}
        %dma_wait3A_93 = arith.constant 0 : i32
        %dma_wait3A_94 = arith.constant 0 : i32
        %dma_wait3A_95 = tpu.memref_slice %arg8[%rem3A_68, %dma_wait3A_93, %dma_wait3A_94] : memref<2x128x128xf32, #tpu.memory_space<vmem>> -> memref<1x128x128xf32, #tpu.memory_space<vmem>>
        %dma_wait3A_96 = tpu.memref_squeeze %dma_wait3A_95 : memref<1x128x128xf32, #tpu.memory_space<vmem>> -> memref<128x128xf32, #tpu.memory_space<vmem>>
        %dma_wait3A_97 = arith.constant 0 : i32
        %dma_wait3A_98 = tpu.memref_slice %arg7[%scan3A_67, %dma_wait3A_97] : memref<40x128xi32, #tpu.memory_space<vmem>> -> memref<1x128xi32, #tpu.memory_space<vmem>>
        %dma_wait3A_99 = tpu.memref_squeeze %dma_wait3A_98 : memref<1x128xi32, #tpu.memory_space<vmem>> -> memref<128xi32, #tpu.memory_space<vmem>>
        %dma_wait3A_100 = arith.constant 0 : i32
        %dma_wait3A_101 = arith.constant 0 : i32
        %dma_wait3A_102 = tpu.memref_slice %arg9[%dma_wait3A_100, %dma_wait3A_101] : memref<10112x128xf32, #tpu.memory_space<vmem_shared>> -> memref<10112x128xf32, #tpu.memory_space<vmem_shared>>
        tpu.wait_indirect_dma semaphore(%run_scoped3A_82 : memref<!tpu.dma_semaphore, #tpu.memory_space<semaphore_mem>>) src(%dma_wait3A_96 : memref<128x128xf32, #tpu.memory_space<vmem>>) dst(%dma_wait3A_102 : memref<10112x128xf32, #tpu.memory_space<vmem_shared>>)
        tpu.yield
      }) : () -> ()
    }
    %scan3A_43 = arith.constant 40 : i32
    %mul3A_44 = arith.constant 80 : i32
    %mul3A_45 = arith.muli %add3A, %mul3A_44 : i32
    %add3A_46 = arith.constant 40 : i32
    %add3A_47 = arith.addi %mul3A_45, %add3A_46 : i32
    "tpu.region"() ({
      %run_scoped3A_67 = tpu.sem_alloc : memref<!tpu.dma_semaphore, #tpu.memory_space<semaphore_mem>>
      %dma_start3A_68 = arith.constant 0 : i32
      %dma_start3A_69 = tpu.memref_slice %arg3[%add3A_47, %dma_start3A_68] : memref<2560x128xi32, #tpu.memory_space<hbm>> -> memref<40x128xi32, #tpu.memory_space<hbm>>
      %dma_start3A_70 = arith.constant 0 : i32
      %dma_start3A_71 = tpu.memref_slice %arg3[%add3A_47, %dma_start3A_70] : memref<2560x128xi32, #tpu.memory_space<hbm>> -> memref<40x128xi32, #tpu.memory_space<hbm>>
      tpu.enqueue_dma source(%dma_start3A_71 : memref<40x128xi32, #tpu.memory_space<hbm>>) target(%arg6 : memref<40x128xi32, #tpu.memory_space<vmem>>) target_semaphore(%run_scoped3A_67 : memref<!tpu.dma_semaphore, #tpu.memory_space<semaphore_mem>>)
      %dma_wait3A = arith.constant 0 : i32
      %dma_wait3A_72 = tpu.memref_slice %arg3[%add3A_47, %dma_wait3A] : memref<2560x128xi32, #tpu.memory_space<hbm>> -> memref<40x128xi32, #tpu.memory_space<hbm>>
      %dma_wait3A_73 = arith.constant 0 : i32
      %dma_wait3A_74 = tpu.memref_slice %arg3[%add3A_47, %dma_wait3A_73] : memref<2560x128xi32, #tpu.memory_space<hbm>> -> memref<40x128xi32, #tpu.memory_space<hbm>>
      tpu.wait_dma2 semaphore(%run_scoped3A_67 : memref<!tpu.dma_semaphore, #tpu.memory_space<semaphore_mem>>) src(%dma_wait3A_74 : memref<40x128xi32, #tpu.memory_space<hbm>>) dst(%arg6 : memref<40x128xi32, #tpu.memory_space<vmem>>)
      tpu.yield
    }) : () -> ()
    "tpu.region"() ({
      %run_scoped3A_67 = tpu.sem_alloc : memref<!tpu.dma_semaphore, #tpu.memory_space<semaphore_mem>>
      %dma_start3A_68 = arith.constant 0 : i32
      %dma_start3A_69 = tpu.memref_slice %arg4[%add3A_47, %dma_start3A_68] : memref<2560x128xi32, #tpu.memory_space<hbm>> -> memref<40x128xi32, #tpu.memory_space<hbm>>
      %dma_start3A_70 = arith.constant 0 : i32
      %dma_start3A_71 = tpu.memref_slice %arg4[%add3A_47, %dma_start3A_70] : memref<2560x128xi32, #tpu.memory_space<hbm>> -> memref<40x128xi32, #tpu.memory_space<hbm>>
      tpu.enqueue_dma source(%dma_start3A_71 : memref<40x128xi32, #tpu.memory_space<hbm>>) target(%arg7 : memref<40x128xi32, #tpu.memory_space<vmem>>) target_semaphore(%run_scoped3A_67 : memref<!tpu.dma_semaphore, #tpu.memory_space<semaphore_mem>>)
      %dma_wait3A = arith.constant 0 : i32
      %dma_wait3A_72 = tpu.memref_slice %arg4[%add3A_47, %dma_wait3A] : memref<2560x128xi32, #tpu.memory_space<hbm>> -> memref<40x128xi32, #tpu.memory_space<hbm>>
      %dma_wait3A_73 = arith.constant 0 : i32
      %dma_wait3A_74 = tpu.memref_slice %arg4[%add3A_47, %dma_wait3A_73] : memref<2560x128xi32, #tpu.memory_space<hbm>> -> memref<40x128xi32, #tpu.memory_space<hbm>>
      tpu.wait_dma2 semaphore(%run_scoped3A_67 : memref<!tpu.dma_semaphore, #tpu.memory_space<semaphore_mem>>) src(%dma_wait3A_74 : memref<40x128xi32, #tpu.memory_space<hbm>>) dst(%arg7 : memref<40x128xi32, #tpu.memory_space<vmem>>)
      tpu.yield
    }) : () -> ()
    %dma_start3A_48 = arith.constant 0 : i32
    %dma_start3A_49 = arith.constant 0 : i32
    %dma_start3A_50 = arith.constant 0 : i32
    %dma_start3A_51 = arith.constant 0 : i32
    %dma_start3A_52 = tpu.memref_slice %arg8[%dma_start3A_49, %dma_start3A_50, %dma_start3A_51] : memref<2x128x128xf32, #tpu.memory_space<vmem>> -> memref<1x128x128xf32, #tpu.memory_space<vmem>>
    %dma_start3A_53 = tpu.memref_squeeze %dma_start3A_52 : memref<1x128x128xf32, #tpu.memory_space<vmem>> -> memref<128x128xf32, #tpu.memory_space<vmem>>
    %dma_start3A_54 = arith.constant 0 : i32
    %dma_start3A_55 = tpu.memref_slice %arg6[%dma_start3A_48, %dma_start3A_54] : memref<40x128xi32, #tpu.memory_space<vmem>> -> memref<1x128xi32, #tpu.memory_space<vmem>>
    %dma_start3A_56 = tpu.memref_squeeze %dma_start3A_55 : memref<1x128xi32, #tpu.memory_space<vmem>> -> memref<128xi32, #tpu.memory_space<vmem>>
    %dma_start3A_57 = arith.constant 0 : i32
    %dma_start3A_58 = arith.constant 0 : i32
    %dma_start3A_59 = tpu.memref_slice %arg2[%dma_start3A_57, %dma_start3A_58] : memref<10000x128xf32, #tpu.memory_space<hbm>> -> memref<10000x128xf32, #tpu.memory_space<hbm>>
    tpu.enqueue_indirect_dma source(%dma_start3A_59 : memref<10000x128xf32, #tpu.memory_space<hbm>>) target(%dma_start3A_53 : memref<128x128xf32, #tpu.memory_space<vmem>>) offsets(%dma_start3A_56 : memref<128xi32, #tpu.memory_space<vmem>>) semaphore(%arg10 : memref<!tpu.dma_semaphore, #tpu.memory_space<semaphore_mem>>)
    %scan3A_60 = arith.constant 0 : i32
    %scan3A_61 = arith.constant 0 : i32
    %scan3A_62 = arith.constant 40 : i32
    %scan3A_63 = arith.addi %scan3A_61, %scan3A_62 : i32
    %scan3A_64 = arith.constant 1 : i32
    scf.for %scan3A_67 = %scan3A_61 to %scan3A_63 step %scan3A_64  : i32 {
      %rem3A = arith.constant 2 : i32
      %rem3A_68 = arith.remsi %scan3A_67, %rem3A : i32
      %dma_wait3A = arith.constant 0 : i32
      %dma_wait3A_69 = arith.constant 0 : i32
      %dma_wait3A_70 = tpu.memref_slice %arg8[%rem3A_68, %dma_wait3A, %dma_wait3A_69] : memref<2x128x128xf32, #tpu.memory_space<vmem>> -> memref<1x128x128xf32, #tpu.memory_space<vmem>>
      %dma_wait3A_71 = tpu.memref_squeeze %dma_wait3A_70 : memref<1x128x128xf32, #tpu.memory_space<vmem>> -> memref<128x128xf32, #tpu.memory_space<vmem>>
      %dma_wait3A_72 = arith.constant 0 : i32
      %dma_wait3A_73 = tpu.memref_slice %arg6[%scan3A_67, %dma_wait3A_72] : memref<40x128xi32, #tpu.memory_space<vmem>> -> memref<1x128xi32, #tpu.memory_space<vmem>>
      %dma_wait3A_74 = tpu.memref_squeeze %dma_wait3A_73 : memref<1x128xi32, #tpu.memory_space<vmem>> -> memref<128xi32, #tpu.memory_space<vmem>>
      %dma_wait3A_75 = arith.constant 0 : i32
      %dma_wait3A_76 = arith.constant 0 : i32
      %dma_wait3A_77 = tpu.memref_slice %arg2[%dma_wait3A_75, %dma_wait3A_76] : memref<10000x128xf32, #tpu.memory_space<hbm>> -> memref<10000x128xf32, #tpu.memory_space<hbm>>
      tpu.wait_indirect_dma semaphore(%arg10 : memref<!tpu.dma_semaphore, #tpu.memory_space<semaphore_mem>>) src(%dma_wait3A_77 : memref<10000x128xf32, #tpu.memory_space<hbm>>) dst(%dma_wait3A_71 : memref<128x128xf32, #tpu.memory_space<vmem>>)
      %add3A_78 = arith.constant 1 : i32
      %add3A_79 = arith.addi %scan3A_67, %add3A_78 : i32
      %lt3A = arith.constant 40 : i32
      %lt3A_80 = arith.cmpi slt, %add3A_79, %lt3A : i32
      %convert_element_type3A = arith.extui %lt3A_80 : i1 to i32
      %cond3A = arith.constant 0 : i32
      %cond3A_81 = arith.cmpi ne, %convert_element_type3A, %cond3A : i32
      scf.if %cond3A_81 {
        %add3A_82 = arith.constant 1 : i32
        %add3A_83 = arith.addi %scan3A_67, %add3A_82 : i32
        %sub3A = arith.constant 1 : i32
        %sub3A_84 = arith.subi %sub3A, %rem3A_68 : i32
        %dma_start3A_85 = arith.constant 0 : i32
        %dma_start3A_86 = arith.constant 0 : i32
        %dma_start3A_87 = tpu.memref_slice %arg8[%sub3A_84, %dma_start3A_85, %dma_start3A_86] : memref<2x128x128xf32, #tpu.memory_space<vmem>> -> memref<1x128x128xf32, #tpu.memory_space<vmem>>
        %dma_start3A_88 = tpu.memref_squeeze %dma_start3A_87 : memref<1x128x128xf32, #tpu.memory_space<vmem>> -> memref<128x128xf32, #tpu.memory_space<vmem>>
        %dma_start3A_89 = arith.constant 0 : i32
        %dma_start3A_90 = tpu.memref_slice %arg6[%add3A_83, %dma_start3A_89] : memref<40x128xi32, #tpu.memory_space<vmem>> -> memref<1x128xi32, #tpu.memory_space<vmem>>
        %dma_start3A_91 = tpu.memref_squeeze %dma_start3A_90 : memref<1x128xi32, #tpu.memory_space<vmem>> -> memref<128xi32, #tpu.memory_space<vmem>>
        %dma_start3A_92 = arith.constant 0 : i32
        %dma_start3A_93 = arith.constant 0 : i32
        %dma_start3A_94 = tpu.memref_slice %arg2[%dma_start3A_92, %dma_start3A_93] : memref<10000x128xf32, #tpu.memory_space<hbm>> -> memref<10000x128xf32, #tpu.memory_space<hbm>>
        tpu.enqueue_indirect_dma source(%dma_start3A_94 : memref<10000x128xf32, #tpu.memory_space<hbm>>) target(%dma_start3A_88 : memref<128x128xf32, #tpu.memory_space<vmem>>) offsets(%dma_start3A_91 : memref<128xi32, #tpu.memory_space<vmem>>) semaphore(%arg10 : memref<!tpu.dma_semaphore, #tpu.memory_space<semaphore_mem>>)
      } else {
      }
      "tpu.region"() ({
        %run_scoped3A_82 = tpu.sem_alloc : memref<!tpu.dma_semaphore, #tpu.memory_space<semaphore_mem>>
        %dma_start3A_83 = arith.constant 0 : i32
        %dma_start3A_84 = arith.constant 0 : i32
        %dma_start3A_85 = tpu.memref_slice %arg8[%rem3A_68, %dma_start3A_83, %dma_start3A_84] : memref<2x128x128xf32, #tpu.memory_space<vmem>> -> memref<1x128x128xf32, #tpu.memory_space<vmem>>
        %dma_start3A_86 = tpu.memref_squeeze %dma_start3A_85 : memref<1x128x128xf32, #tpu.memory_space<vmem>> -> memref<128x128xf32, #tpu.memory_space<vmem>>
        %dma_start3A_87 = arith.constant 0 : i32
        %dma_start3A_88 = tpu.memref_slice %arg7[%scan3A_67, %dma_start3A_87] : memref<40x128xi32, #tpu.memory_space<vmem>> -> memref<1x128xi32, #tpu.memory_space<vmem>>
        %dma_start3A_89 = tpu.memref_squeeze %dma_start3A_88 : memref<1x128xi32, #tpu.memory_space<vmem>> -> memref<128xi32, #tpu.memory_space<vmem>>
        %dma_start3A_90 = arith.constant 0 : i32
        %dma_start3A_91 = arith.constant 0 : i32
        %dma_start3A_92 = tpu.memref_slice %arg9[%dma_start3A_90, %dma_start3A_91] : memref<10112x128xf32, #tpu.memory_space<vmem_shared>> -> memref<10112x128xf32, #tpu.memory_space<vmem_shared>>
        tpu.enqueue_indirect_dma source(%dma_start3A_86 : memref<128x128xf32, #tpu.memory_space<vmem>>) target(%dma_start3A_92 : memref<10112x128xf32, #tpu.memory_space<vmem_shared>>) offsets(%dma_start3A_89 : memref<128xi32, #tpu.memory_space<vmem>>) semaphore(%run_scoped3A_82 : memref<!tpu.dma_semaphore, #tpu.memory_space<semaphore_mem>>) {add = true}
        %dma_wait3A_93 = arith.constant 0 : i32
        %dma_wait3A_94 = arith.constant 0 : i32
        %dma_wait3A_95 = tpu.memref_slice %arg8[%rem3A_68, %dma_wait3A_93, %dma_wait3A_94] : memref<2x128x128xf32, #tpu.memory_space<vmem>> -> memref<1x128x128xf32, #tpu.memory_space<vmem>>
        %dma_wait3A_96 = tpu.memref_squeeze %dma_wait3A_95 : memref<1x128x128xf32, #tpu.memory_space<vmem>> -> memref<128x128xf32, #tpu.memory_space<vmem>>
        %dma_wait3A_97 = arith.constant 0 : i32
        %dma_wait3A_98 = tpu.memref_slice %arg7[%scan3A_67, %dma_wait3A_97] : memref<40x128xi32, #tpu.memory_space<vmem>> -> memref<1x128xi32, #tpu.memory_space<vmem>>
        %dma_wait3A_99 = tpu.memref_squeeze %dma_wait3A_98 : memref<1x128xi32, #tpu.memory_space<vmem>> -> memref<128xi32, #tpu.memory_space<vmem>>
        %dma_wait3A_100 = arith.constant 0 : i32
        %dma_wait3A_101 = arith.constant 0 : i32
        %dma_wait3A_102 = tpu.memref_slice %arg9[%dma_wait3A_100, %dma_wait3A_101] : memref<10112x128xf32, #tpu.memory_space<vmem_shared>> -> memref<10112x128xf32, #tpu.memory_space<vmem_shared>>
        tpu.wait_indirect_dma semaphore(%run_scoped3A_82 : memref<!tpu.dma_semaphore, #tpu.memory_space<semaphore_mem>>) src(%dma_wait3A_96 : memref<128x128xf32, #tpu.memory_space<vmem>>) dst(%dma_wait3A_102 : memref<10112x128xf32, #tpu.memory_space<vmem_shared>>)
        tpu.yield
      }) : () -> ()
    }
    %scan3A_65 = arith.constant 40 : i32
    %barrier3A_66 = arith.constant 0 : index
    tpu.barrier barrier_id(%barrier3A_66)
    "tpu.region"() ({
      %run_scoped3A_67 = tpu.sem_alloc : memref<!tpu.dma_semaphore, #tpu.memory_space<semaphore_mem>>
      %dma_start3A_68 = arith.constant 0 : i32
      %dma_start3A_69 = tpu.memref_slice %arg5[%arg0, %mul3A_2, %dma_start3A_68] : memref<2x10112x128xf32, #tpu.memory_space<hbm>> -> memref<1x632x128xf32, #tpu.memory_space<hbm>>
      %dma_start3A_70 = tpu.memref_squeeze %dma_start3A_69 : memref<1x632x128xf32, #tpu.memory_space<hbm>> -> memref<632x128xf32, #tpu.memory_space<hbm>>
      %dma_start3A_71 = arith.constant 0 : i32
      %dma_start3A_72 = tpu.memref_slice %arg9[%mul3A_2, %dma_start3A_71] : memref<10112x128xf32, #tpu.memory_space<vmem_shared>> -> memref<632x128xf32, #tpu.memory_space<vmem_shared>>
      tpu.enqueue_dma source(%dma_start3A_72 : memref<632x128xf32, #tpu.memory_space<vmem_shared>>) target(%dma_start3A_70 : memref<632x128xf32, #tpu.memory_space<hbm>>) target_semaphore(%run_scoped3A_67 : memref<!tpu.dma_semaphore, #tpu.memory_space<semaphore_mem>>)
      %dma_wait3A = arith.constant 0 : i32
      %dma_wait3A_73 = tpu.memref_slice %arg5[%arg0, %mul3A_2, %dma_wait3A] : memref<2x10112x128xf32, #tpu.memory_space<hbm>> -> memref<1x632x128xf32, #tpu.memory_space<hbm>>
      %dma_wait3A_74 = tpu.memref_squeeze %dma_wait3A_73 : memref<1x632x128xf32, #tpu.memory_space<hbm>> -> memref<632x128xf32, #tpu.memory_space<hbm>>
      %dma_wait3A_75 = arith.constant 0 : i32
      %dma_wait3A_76 = tpu.memref_slice %arg9[%mul3A_2, %dma_wait3A_75] : memref<10112x128xf32, #tpu.memory_space<vmem_shared>> -> memref<632x128xf32, #tpu.memory_space<vmem_shared>>
      tpu.wait_dma2 semaphore(%run_scoped3A_67 : memref<!tpu.dma_semaphore, #tpu.memory_space<semaphore_mem>>) src(%dma_wait3A_76 : memref<632x128xf32, #tpu.memory_space<vmem_shared>>) dst(%dma_wait3A_74 : memref<632x128xf32, #tpu.memory_space<hbm>>)
      tpu.yield
    }) : () -> ()
    return
  }
}

module attributes {stable_mosaic.version = 14 : i64} {
  func.func @_tc_prep_body(%arg0: i32, %arg1: memref<1x1000x16xf32, #tpu.memory_space<vmem>>, %arg2: memref<1x1000x16xf32, #tpu.memory_space<vmem>>, %arg3: memref<1000x128xf32, #tpu.memory_space<vmem>>, %arg4: memref<1000x128xf32, #tpu.memory_space<vmem>>, %arg5: memref<1000x1xf32, #tpu.memory_space<vmem>>) attributes {dimension_semantics = [#tpu.dimension_semantics<arbitrary>], iteration_bounds = array<i64: 10>, scalar_prefetch = 0 : i64, scratch_operands = 0 : i64, tpu.core_type = #tpu.core_type<tc>, window_params = [{transform_indices = @transform_0, window_bounds = array<i64: 1, 1000, 16>}, {transform_indices = @transform_1, window_bounds = array<i64: 1, 1000, 16>}, {transform_indices = @transform_2, window_bounds = array<i64: 1000, 128>}, {transform_indices = @transform_3, window_bounds = array<i64: 1000, 128>}, {transform_indices = @transform_4, window_bounds = array<i64: 1000, 1>}]} {
    %get3A = arith.constant 0 : index
    %get3A_0 = arith.constant 0 : index
    %get3A_1 = arith.constant 0 : index
    %get3A_2 = vector.load %arg1[%get3A, %get3A_0, %get3A_1] : memref<1x1000x16xf32, #tpu.memory_space<vmem>>, vector<1x1000x16xf32>
    %get3A_3 = vector.shape_cast %get3A_2 : vector<1x1000x16xf32> to vector<1000x16xf32>
    %slice3A = vector.extract_strided_slice %get3A_3 {offsets = [0, 0], sizes = [1000, 1], strides = [1, 1]} : vector<1000x16xf32> to vector<1000x1xf32>
    %get3A_4 = arith.constant 0 : index
    %get3A_5 = arith.constant 0 : index
    %get3A_6 = arith.constant 0 : index
    %get3A_7 = vector.load %arg2[%get3A_4, %get3A_5, %get3A_6] : memref<1x1000x16xf32, #tpu.memory_space<vmem>>, vector<1x1000x16xf32>
    %get3A_8 = vector.shape_cast %get3A_7 : vector<1x1000x16xf32> to vector<1000x16xf32>
    %slice3A_9 = vector.extract_strided_slice %get3A_8 {offsets = [0, 0], sizes = [1000, 1], strides = [1, 1]} : vector<1000x16xf32> to vector<1000x1xf32>
    %add3A = arith.addf %slice3A, %slice3A_9 : vector<1000x1xf32>
    %add3A_10 = arith.constant 1.000000e+00 : f32
    %add3A_11 = vector.broadcast %add3A_10 : f32 to vector<1000x1xf32>
    %add3A_12 = arith.addf %add3A, %add3A_11 : vector<1000x1xf32>
    %rsqrt3A = math.rsqrt %add3A_12 : vector<1000x1xf32>
    %swap3A = arith.constant 0 : index
    %swap3A_13 = arith.constant 0 : index
    %swap3A_14 = vector.load %arg5[%swap3A, %swap3A_13] : memref<1000x1xf32, #tpu.memory_space<vmem>>, vector<1000x1xf32>
    tpu.vector_store %arg5[%swap3A, %swap3A_13], %rsqrt3A {strides = array<i32>} : memref<1000x1xf32, #tpu.memory_space<vmem>>, vector<1000x1xf32>,
    %get3A_15 = arith.constant 0 : index
    %get3A_16 = arith.constant 0 : index
    %get3A_17 = vector.load %arg3[%get3A_15, %get3A_16] : memref<1000x128xf32, #tpu.memory_space<vmem>>, vector<1000x128xf32>
    %mul3A = vector.broadcast %rsqrt3A : vector<1000x1xf32> to vector<1000x128xf32>
    %mul3A_18 = arith.mulf %get3A_17, %mul3A : vector<1000x128xf32>
    %swap3A_19 = arith.constant 0 : index
    %swap3A_20 = arith.constant 0 : index
    %swap3A_21 = vector.load %arg4[%swap3A_19, %swap3A_20] : memref<1000x128xf32, #tpu.memory_space<vmem>>, vector<1000x128xf32>
    tpu.vector_store %arg4[%swap3A_19, %swap3A_20], %mul3A_18 {strides = array<i32>} : memref<1000x128xf32, #tpu.memory_space<vmem>>, vector<1000x128xf32>,
    return
  }
  func.func @transform_0(%arg0: i32) -> (i32, i32, i32) {
    %c0_i32 = arith.constant 0 : i32
    %c0_i32_0 = arith.constant 0 : i32
    %c0_i32_1 = arith.constant 0 : i32
    return %c0_i32, %arg0, %c0_i32_0 : i32, i32, i32
  }
  func.func @transform_1(%arg0: i32) -> (i32, i32, i32) {
    %c1_i32 = arith.constant 1 : i32
    %c0_i32 = arith.constant 0 : i32
    %c0_i32_0 = arith.constant 0 : i32
    return %c1_i32, %arg0, %c0_i32 : i32, i32, i32
  }
  func.func @transform_2(%arg0: i32) -> (i32, i32) {
    %c0_i32 = arith.constant 0 : i32
    %c0_i32_0 = arith.constant 0 : i32
    return %arg0, %c0_i32 : i32, i32
  }
  func.func @transform_3(%arg0: i32) -> (i32, i32) {
    %c0_i32 = arith.constant 0 : i32
    %c0_i32_0 = arith.constant 0 : i32
    return %arg0, %c0_i32 : i32, i32
  }
  func.func @transform_4(%arg0: i32) -> (i32, i32) {
    %c0_i32 = arith.constant 0 : i32
    %c0_i32_0 = arith.constant 0 : i32
    return %arg0, %c0_i32 : i32, i32
  }
}

module attributes {stable_mosaic.version = 14 : i64} {
  func.func @_tc_mid_body(%arg0: i32, %arg1: memref<1x1000x128xf32, #tpu.memory_space<vmem>>, %arg2: memref<1x1000x128xf32, #tpu.memory_space<vmem>>, %arg3: memref<1000x128xf32, #tpu.memory_space<vmem>>, %arg4: memref<1000x1xf32, #tpu.memory_space<vmem>>, %arg5: memref<128x256xf32, #tpu.memory_space<vmem>>, %arg6: memref<1x256xf32, #tpu.memory_space<vmem>>, %arg7: memref<256x128xf32, #tpu.memory_space<vmem>>, %arg8: memref<1000x128xf32, #tpu.memory_space<vmem>>) attributes {dimension_semantics = [#tpu.dimension_semantics<arbitrary>], iteration_bounds = array<i64: 10>, scalar_prefetch = 0 : i64, scratch_operands = 0 : i64, tpu.core_type = #tpu.core_type<tc>, window_params = [{transform_indices = @transform_0, window_bounds = array<i64: 1, 1000, 128>}, {transform_indices = @transform_1, window_bounds = array<i64: 1, 1000, 128>}, {transform_indices = @transform_2, window_bounds = array<i64: 1000, 128>}, {transform_indices = @transform_3, window_bounds = array<i64: 1000, 1>}, {pipeline_mode = #tpu.pipeline_mode<synchronous>, transform_indices = @transform_4, window_bounds = array<i64: 128, 256>}, {pipeline_mode = #tpu.pipeline_mode<synchronous>, transform_indices = @transform_5, window_bounds = array<i64: 1, 256>}, {pipeline_mode = #tpu.pipeline_mode<synchronous>, transform_indices = @transform_6, window_bounds = array<i64: 256, 128>}, {transform_indices = @transform_7, window_bounds = array<i64: 1000, 128>}]} {
    %get3A = arith.constant 0 : index
    %get3A_0 = arith.constant 0 : index
    %get3A_1 = vector.load %arg4[%get3A, %get3A_0] : memref<1000x1xf32, #tpu.memory_space<vmem>>, vector<1000x1xf32>
    %get3A_2 = arith.constant 0 : index
    %get3A_3 = arith.constant 0 : index
    %get3A_4 = arith.constant 0 : index
    %get3A_5 = vector.load %arg1[%get3A_2, %get3A_3, %get3A_4] : memref<1x1000x128xf32, #tpu.memory_space<vmem>>, vector<1x1000x128xf32>
    %get3A_6 = vector.shape_cast %get3A_5 : vector<1x1000x128xf32> to vector<1000x128xf32>
    %get3A_7 = arith.constant 0 : index
    %get3A_8 = arith.constant 0 : index
    %get3A_9 = arith.constant 0 : index
    %get3A_10 = vector.load %arg2[%get3A_7, %get3A_8, %get3A_9] : memref<1x1000x128xf32, #tpu.memory_space<vmem>>, vector<1x1000x128xf32>
    %get3A_11 = vector.shape_cast %get3A_10 : vector<1x1000x128xf32> to vector<1000x128xf32>
    %add3A = arith.addf %get3A_6, %get3A_11 : vector<1000x128xf32>
    %get3A_12 = arith.constant 0 : index
    %get3A_13 = arith.constant 0 : index
    %get3A_14 = vector.load %arg3[%get3A_12, %get3A_13] : memref<1000x128xf32, #tpu.memory_space<vmem>>, vector<1000x128xf32>
    %add3A_15 = arith.addf %add3A, %get3A_14 : vector<1000x128xf32>
    %mul3A = vector.broadcast %get3A_1 : vector<1000x1xf32> to vector<1000x128xf32>
    %mul3A_16 = arith.mulf %mul3A, %add3A_15 : vector<1000x128xf32>
    %get3A_17 = arith.constant 0 : index
    %get3A_18 = arith.constant 0 : index
    %get3A_19 = vector.load %arg5[%get3A_17, %get3A_18] : memref<128x256xf32, #tpu.memory_space<vmem>>, vector<128x256xf32>
    %dot_general3A = arith.constant dense<0.000000e+00> : vector<1000x256xf32>
    %dot_general3A_20 = tpu.matmul %mul3A_16, %get3A_19, %dot_general3A {dimension_numbers = #tpu.dot_dimension_numbers<[1], [0], [0], [1], [0, 0, 1, 1], [], []>, transpose_lhs_hint = false} : vector<1000x128xf32>, vector<128x256xf32>, vector<1000x256xf32> -> vector<1000x256xf32>
    %get3A_21 = arith.constant 0 : index
    %get3A_22 = arith.constant 0 : index
    %get3A_23 = vector.load %arg6[%get3A_21, %get3A_22] : memref<1x256xf32, #tpu.memory_space<vmem>>, vector<1x256xf32>
    %add3A_24 = vector.broadcast %get3A_23 : vector<1x256xf32> to vector<1000x256xf32>
    %add3A_25 = arith.addf %dot_general3A_20, %add3A_24 : vector<1000x256xf32>
    %max3A = arith.constant 0.000000e+00 : f32
    %max3A_26 = vector.broadcast %max3A : f32 to vector<1000x256xf32>
    %max3A_27 = arith.maximumf %add3A_25, %max3A_26 : vector<1000x256xf32>
    %get3A_28 = arith.constant 0 : index
    %get3A_29 = arith.constant 0 : index
    %get3A_30 = vector.load %arg7[%get3A_28, %get3A_29] : memref<256x128xf32, #tpu.memory_space<vmem>>, vector<256x128xf32>
    %dot_general3A_31 = arith.constant dense<0.000000e+00> : vector<1000x128xf32>
    %dot_general3A_32 = tpu.matmul %max3A_27, %get3A_30, %dot_general3A_31 {dimension_numbers = #tpu.dot_dimension_numbers<[1], [0], [0], [1], [0, 0, 1, 1], [], []>, transpose_lhs_hint = false} : vector<1000x256xf32>, vector<256x128xf32>, vector<1000x128xf32> -> vector<1000x128xf32>
    %mul3A_33 = vector.broadcast %get3A_1 : vector<1000x1xf32> to vector<1000x128xf32>
    %mul3A_34 = arith.mulf %mul3A_33, %dot_general3A_32 : vector<1000x128xf32>
    %swap3A = arith.constant 0 : index
    %swap3A_35 = arith.constant 0 : index
    %swap3A_36 = vector.load %arg8[%swap3A, %swap3A_35] : memref<1000x128xf32, #tpu.memory_space<vmem>>, vector<1000x128xf32>
    tpu.vector_store %arg8[%swap3A, %swap3A_35], %mul3A_34 {strides = array<i32>} : memref<1000x128xf32, #tpu.memory_space<vmem>>, vector<1000x128xf32>,
    return
  }
  func.func @transform_0(%arg0: i32) -> (i32, i32, i32) {
    %c0_i32 = arith.constant 0 : i32
    %c0_i32_0 = arith.constant 0 : i32
    %c0_i32_1 = arith.constant 0 : i32
    return %c0_i32, %arg0, %c0_i32_0 : i32, i32, i32
  }
  func.func @transform_1(%arg0: i32) -> (i32, i32, i32) {
    %c1_i32 = arith.constant 1 : i32
    %c0_i32 = arith.constant 0 : i32
    %c0_i32_0 = arith.constant 0 : i32
    return %c1_i32, %arg0, %c0_i32 : i32, i32, i32
  }
  func.func @transform_2(%arg0: i32) -> (i32, i32) {
    %c0_i32 = arith.constant 0 : i32
    %c0_i32_0 = arith.constant 0 : i32
    return %arg0, %c0_i32 : i32, i32
  }
  func.func @transform_3(%arg0: i32) -> (i32, i32) {
    %c0_i32 = arith.constant 0 : i32
    %c0_i32_0 = arith.constant 0 : i32
    return %arg0, %c0_i32 : i32, i32
  }
  func.func @transform_4(%arg0: i32) -> (i32, i32) {
    %c0_i32 = arith.constant 0 : i32
    %c0_i32_0 = arith.constant 0 : i32
    %c0_i32_1 = arith.constant 0 : i32
    return %c0_i32, %c0_i32_0 : i32, i32
  }
  func.func @transform_5(%arg0: i32) -> (i32, i32) {
    %c0_i32 = arith.constant 0 : i32
    %c0_i32_0 = arith.constant 0 : i32
    %c0_i32_1 = arith.constant 0 : i32
    return %c0_i32, %c0_i32_0 : i32, i32
  }
  func.func @transform_6(%arg0: i32) -> (i32, i32) {
    %c0_i32 = arith.constant 0 : i32
    %c0_i32_0 = arith.constant 0 : i32
    %c0_i32_1 = arith.constant 0 : i32
    return %c0_i32, %c0_i32_0 : i32, i32
  }
  func.func @transform_7(%arg0: i32) -> (i32, i32) {
    %c0_i32 = arith.constant 0 : i32
    %c0_i32_0 = arith.constant 0 : i32
    return %arg0, %c0_i32 : i32, i32
  }
}

module attributes {stable_mosaic.version = 14 : i64} {
  func.func @_tc_final_body(%arg0: i32, %arg1: memref<1x1000x128xf32, #tpu.memory_space<vmem>>, %arg2: memref<1x1000x128xf32, #tpu.memory_space<vmem>>, %arg3: memref<1000x128xf32, #tpu.memory_space<vmem>>, %arg4: memref<1000x1xf32, #tpu.memory_space<vmem>>, %arg5: memref<128x128xf32, #tpu.memory_space<vmem>>, %arg6: memref<1x128xf32, #tpu.memory_space<vmem>>, %arg7: memref<1x128xf32, #tpu.memory_space<vmem>>, %arg8: memref<1000x128xf32, #tpu.memory_space<vmem>>) attributes {dimension_semantics = [#tpu.dimension_semantics<arbitrary>], iteration_bounds = array<i64: 10>, scalar_prefetch = 0 : i64, scratch_operands = 0 : i64, tpu.core_type = #tpu.core_type<tc>, window_params = [{transform_indices = @transform_0, window_bounds = array<i64: 1, 1000, 128>}, {transform_indices = @transform_1, window_bounds = array<i64: 1, 1000, 128>}, {transform_indices = @transform_2, window_bounds = array<i64: 1000, 128>}, {transform_indices = @transform_3, window_bounds = array<i64: 1000, 1>}, {pipeline_mode = #tpu.pipeline_mode<synchronous>, transform_indices = @transform_4, window_bounds = array<i64: 128, 128>}, {pipeline_mode = #tpu.pipeline_mode<synchronous>, transform_indices = @transform_5, window_bounds = array<i64: 1, 128>}, {pipeline_mode = #tpu.pipeline_mode<synchronous>, transform_indices = @transform_6, window_bounds = array<i64: 1, 128>}, {transform_indices = @transform_7, window_bounds = array<i64: 1000, 128>}]} {
    %get3A = arith.constant 0 : index
    %get3A_0 = arith.constant 0 : index
    %get3A_1 = vector.load %arg4[%get3A, %get3A_0] : memref<1000x1xf32, #tpu.memory_space<vmem>>, vector<1000x1xf32>
    %get3A_2 = arith.constant 0 : index
    %get3A_3 = arith.constant 0 : index
    %get3A_4 = arith.constant 0 : index
    %get3A_5 = vector.load %arg1[%get3A_2, %get3A_3, %get3A_4] : memref<1x1000x128xf32, #tpu.memory_space<vmem>>, vector<1x1000x128xf32>
    %get3A_6 = vector.shape_cast %get3A_5 : vector<1x1000x128xf32> to vector<1000x128xf32>
    %get3A_7 = arith.constant 0 : index
    %get3A_8 = arith.constant 0 : index
    %get3A_9 = arith.constant 0 : index
    %get3A_10 = vector.load %arg2[%get3A_7, %get3A_8, %get3A_9] : memref<1x1000x128xf32, #tpu.memory_space<vmem>>, vector<1x1000x128xf32>
    %get3A_11 = vector.shape_cast %get3A_10 : vector<1x1000x128xf32> to vector<1000x128xf32>
    %add3A = arith.addf %get3A_6, %get3A_11 : vector<1000x128xf32>
    %get3A_12 = arith.constant 0 : index
    %get3A_13 = arith.constant 0 : index
    %get3A_14 = vector.load %arg3[%get3A_12, %get3A_13] : memref<1000x128xf32, #tpu.memory_space<vmem>>, vector<1000x128xf32>
    %add3A_15 = arith.addf %add3A, %get3A_14 : vector<1000x128xf32>
    %mul3A = vector.broadcast %get3A_1 : vector<1000x1xf32> to vector<1000x128xf32>
    %mul3A_16 = arith.mulf %mul3A, %add3A_15 : vector<1000x128xf32>
    %get3A_17 = arith.constant 0 : index
    %get3A_18 = arith.constant 0 : index
    %get3A_19 = vector.load %arg6[%get3A_17, %get3A_18] : memref<1x128xf32, #tpu.memory_space<vmem>>, vector<1x128xf32>
    %get3A_20 = arith.constant 0 : index
    %get3A_21 = arith.constant 0 : index
    %get3A_22 = vector.load %arg5[%get3A_20, %get3A_21] : memref<128x128xf32, #tpu.memory_space<vmem>>, vector<128x128xf32>
    %dot_general3A = arith.constant dense<0.000000e+00> : vector<1x128xf32>
    %dot_general3A_23 = tpu.matmul %get3A_19, %get3A_22, %dot_general3A {dimension_numbers = #tpu.dot_dimension_numbers<[1], [0], [0], [1], [0, 0, 1, 1], [], []>, transpose_lhs_hint = false} : vector<1x128xf32>, vector<128x128xf32>, vector<1x128xf32> -> vector<1x128xf32>
    %get3A_24 = arith.constant 0 : index
    %get3A_25 = arith.constant 0 : index
    %get3A_26 = vector.load %arg7[%get3A_24, %get3A_25] : memref<1x128xf32, #tpu.memory_space<vmem>>, vector<1x128xf32>
    %add3A_27 = arith.addf %dot_general3A_23, %get3A_26 : vector<1x128xf32>
    %get3A_28 = arith.constant 0 : index
    %get3A_29 = arith.constant 0 : index
    %get3A_30 = vector.load %arg5[%get3A_28, %get3A_29] : memref<128x128xf32, #tpu.memory_space<vmem>>, vector<128x128xf32>
    %dot_general3A_31 = arith.constant dense<0.000000e+00> : vector<1000x128xf32>
    %dot_general3A_32 = tpu.matmul %mul3A_16, %get3A_30, %dot_general3A_31 {dimension_numbers = #tpu.dot_dimension_numbers<[1], [0], [0], [1], [0, 0, 1, 1], [], []>, transpose_lhs_hint = false} : vector<1000x128xf32>, vector<128x128xf32>, vector<1000x128xf32> -> vector<1000x128xf32>
    %add3A_33 = vector.broadcast %add3A_27 : vector<1x128xf32> to vector<1000x128xf32>
    %add3A_34 = arith.addf %dot_general3A_32, %add3A_33 : vector<1000x128xf32>
    %swap3A = arith.constant 0 : index
    %swap3A_35 = arith.constant 0 : index
    %swap3A_36 = vector.load %arg8[%swap3A, %swap3A_35] : memref<1000x128xf32, #tpu.memory_space<vmem>>, vector<1000x128xf32>
    tpu.vector_store %arg8[%swap3A, %swap3A_35], %add3A_34 {strides = array<i32>} : memref<1000x128xf32, #tpu.memory_space<vmem>>, vector<1000x128xf32>,
    return
  }
  func.func @transform_0(%arg0: i32) -> (i32, i32, i32) {
    %c0_i32 = arith.constant 0 : i32
    %c0_i32_0 = arith.constant 0 : i32
    %c0_i32_1 = arith.constant 0 : i32
    return %c0_i32, %arg0, %c0_i32_0 : i32, i32, i32
  }
  func.func @transform_1(%arg0: i32) -> (i32, i32, i32) {
    %c1_i32 = arith.constant 1 : i32
    %c0_i32 = arith.constant 0 : i32
    %c0_i32_0 = arith.constant 0 : i32
    return %c1_i32, %arg0, %c0_i32 : i32, i32, i32
  }
  func.func @transform_2(%arg0: i32) -> (i32, i32) {
    %c0_i32 = arith.constant 0 : i32
    %c0_i32_0 = arith.constant 0 : i32
    return %arg0, %c0_i32 : i32, i32
  }
  func.func @transform_3(%arg0: i32) -> (i32, i32) {
    %c0_i32 = arith.constant 0 : i32
    %c0_i32_0 = arith.constant 0 : i32
    return %arg0, %c0_i32 : i32, i32
  }
  func.func @transform_4(%arg0: i32) -> (i32, i32) {
    %c0_i32 = arith.constant 0 : i32
    %c0_i32_0 = arith.constant 0 : i32
    %c0_i32_1 = arith.constant 0 : i32
    return %c0_i32, %c0_i32_0 : i32, i32
  }
  func.func @transform_5(%arg0: i32) -> (i32, i32) {
    %c0_i32 = arith.constant 0 : i32
    %c0_i32_0 = arith.constant 0 : i32
    %c0_i32_1 = arith.constant 0 : i32
    return %c0_i32, %c0_i32_0 : i32, i32
  }
  func.func @transform_6(%arg0: i32) -> (i32, i32) {
    %c0_i32 = arith.constant 0 : i32
    %c0_i32_0 = arith.constant 0 : i32
    %c0_i32_1 = arith.constant 0 : i32
    return %c0_i32, %c0_i32_0 : i32, i32
  }
  func.func @transform_7(%arg0: i32) -> (i32, i32) {
    %c0_i32 = arith.constant 0 : i32
    %c0_i32_0 = arith.constant 0 : i32
    return %arg0, %c0_i32 : i32, i32
  }
}

</mosaic_0001>

<sc_bundles>
// kernel: kernel.11.cloned.1.call-start
scs
__scs_entry_jumppad:
0x0: {  	(pc) =	sbr.rel $0x88, $3  }
0x1: {  	(tag) =	ssettag $0x0;
	lr =	simm.s32 $0x1  }
0x2: {  	[smem:$0x3F99] =	sst lr;
	_ =	strace $0xD0000000  }
0x3: {  	_ = 	snop  }
0x4: {  	_ = 	snop  }
0x5: {  	_ = 	snop  }
0x6: {  	_ = 	snop  }
0x7: {  	_ = 	snop  }
__scs_overlays_trampoline_lowered:
0x8: {  	[smem:$0x3FA8] =	sst s0  }
0x9: {  	[smem:$0x3FA9] =	sst s1  }
0xa: {  	[smem:$0x3FAA] =	sst s2  }
0xb: {  	[smem:$0x3FAB] =	sst s3  }
0xc: {  	[smem:$0x3FAC] =	sst s4  }
0xd: {  	[smem:$0x3FAD] =	sst s5  }
0xe: {  	[smem:$0x3FAE] =	sst s6  }
0xf: {  	[smem:$0x3FAF] =	sst s7  }
0x10: {  	[smem:$0x3FB0] =	sst s8  }
0x11: {  	[smem:$0x3FB1] =	sst s9;
	s0 =	simm.s32 @!p0 $0x0  }
0x12: {  	s1 =	sld [smem:$0x3F97];
	s0 =	simm.s32 @p0 $0x1  }
0x13: {  	[smem:$0x3FB2] =	sst s0;
	s0 =	simm.s32 @!p1 $0x0  }
0x14: {  	s2 =	sld [smem:$0x3F96];
	s0 =	simm.s32 @p1 $0x1  }
0x15: {  	[smem:$0x3FB3] =	sst s0;
	s0 =	simm.s32 @!p2 $0x0  }
0x16: {  	s3 =	sld [smem:$0x3FDB];
	s0 =	simm.s32 @p2 $0x1  }
0x17: {  	s4 =	simm.s32 $0x1BF5;
	[smem:$0x3FB5] =	sst s0  }
0x18: {  	s0 =	sld [smem:$0x3F98];
	_ =	swait.ge [sflag:s4], $0x0  }
0x19: {  	s7 =	sld [smem:$0x3F99]  }
0x1a: {  	s8 =	sadd.s32 $0xFFFFE003, lr  }
0x1b: {  	s9 =	sadd.s32 $0xFFFFFEF7, lr;
	s5 =	simm.s32 $0xFFFFFFFF;
	p2 =	slt.u32 s8, $0xFFFFF086  }
0x1c: {  	p1 =	slt.u32 s9, $0xF7A;
	s5 =	simm.s32 @!p2 $0x0  }
0x1d: {  	s5 =	simm.s32 @p1 $0x1;
	p0 =	seq.s32 s7, s2  }
0x1e: {  	s7 =	smul.u32 @!p0 $0xF7A, s2;
	p2 =	seq.s32 @!p0 s5, $0x0  }
0x1f: {  	s9 =	smul.u32 $0xF7A, s1;
	s8 =	simm.s32 @!p0 $0x1BF5;
	p2 =	por !p2, p0  }
0x20: {  	[sflag:s8] =	ssyncset.s32 @!p0 $0xFFFFF086;
	s6 =	sadd.s32 @!p0 s3, s7;
	s7 =	simm.s32 @!p0 $0x108  }
0x21: {  	s3 =	sadd.s32 s3, s9;
	s6 =	sadd.s32 @!p0 $0x88, s6;
	s7 =	simm.s32 @p2 $0x1082  }
0x22: {  	[simem:s7], [sflag:s8] =	dma.local @!p0 [hbm:s6], $0xF7A  }
0x23: {  	s9 =	sor.u32 $0xD0000000, s2;
	s6 =	simm.s32 $0x108;
	_ =	swait.ge @!p0 [sflag:s8], $0x0  }
0x24: {  	s3 =	sadd.s32 $0x88, s3;
	s6 =	simm.s32 @!p1 $0x1082;
	[sflag:s4] =	ssyncset.s32 $0xFFFFF086  }
0x25: {  	[simem:s6], [sflag:s4] =	dma.local [hbm:s3], $0xF7A  }
0x26: {  	[smem:$0x3F99] =	sst s1;
	(tag) =	ssettag s2;
	_ =	strace s9  }
0x27: {  	s1 =	sld [smem:$0x3FA9]  }
0x28: {  	s2 =	sld [smem:$0x3FAA]  }
0x29: {  	s4 =	sld [smem:$0x3FAC]  }
0x2a: {  	p0 =	seq.s32 s5, $0x0;
	s5 =	sld [smem:$0x3FAD]  }
0x2b: {  	s6 =	sld [smem:$0x3FAE]  }
0x2c: {  	s7 =	sld [smem:$0x3FAF]  }
0x2d: {  	s3 =	simm.s32 $0x108;
	s8 =	sld [smem:$0x3FB0]  }
0x2e: {  	s3 =	simm.s32 @!p0 $0x1082;
	s9 =	sld [smem:$0x3FB1]  }
0x2f: {  	lr =	sadd.s32 s0, s3;
	s0 =	sld [smem:$0x3FA8]  }
0x30: {  	s3 =	sld [smem:$0x3FAB]  }
0x31: {  	[smem:$0x3FB4] =	sst s10  }
0x32: {  	s10 =	sld [smem:$0x3FB2];
	_ =	sdelay $0x3  }
0x33: {  	p0 =	seq.s32 s10, $0x1;
	s10 =	sld [smem:$0x3FB4];
	_ =	sdelay $0x3  }
0x34: {  	[smem:$0x3FB4] =	sst s10  }
0x35: {  	s10 =	sld [smem:$0x3FB3];
	_ =	sdelay $0x3  }
0x36: {  	p1 =	seq.s32 s10, $0x1;
	s10 =	sld [smem:$0x3FB4];
	_ =	sdelay $0x3  }
0x37: {  	[smem:$0x3FB4] =	sst s10  }
0x38: {  	s10 =	sld [smem:$0x3FB5]  }
0x39: {  	_ = 	snop;
	(pc) =	sbr.ind lr, $3  }
0x3a: {  	_ = 	snop  }
0x3b: {  	_ = 	snop  }
0x3c: {  	p2 =	seq.s32 s10, $0x1;
	s10 =	sld [smem:$0x3FB4]  }
0x3d: {  	_ =	shalt  }
0x3e: {  	_ =	shalt  }
0x3f: {  	_ =	shalt  }
0x40: {  	_ =	shalt  }
0x41: {  	_ =	shalt  }
0x42: {  	_ =	shalt  }
0x43: {  	_ =	shalt  }
0x44: {  	_ =	shalt  }
0x45: {  	_ =	shalt  }
0x46: {  	_ =	shalt  }
0x47: {  	_ =	shalt  }
0x48: {  	_ =	shalt  }
0x49: {  	_ =	shalt  }
0x4a: {  	_ =	shalt  }
0x4b: {  	_ =	shalt  }
0x4c: {  	_ =	shalt  }
0x4d: {  	_ =	shalt  }
0x4e: {  	_ =	shalt  }
0x4f: {  	_ =	shalt  }
0x50: {  	_ =	shalt  }
0x51: {  	_ =	shalt  }
0x52: {  	_ =	shalt  }
0x53: {  	_ =	shalt  }
0x54: {  	_ =	shalt  }
0x55: {  	_ =	shalt  }
0x56: {  	_ =	shalt  }
0x57: {  	_ =	shalt  }
0x58: {  	_ =	shalt  }
0x59: {  	_ =	shalt  }
0x5a: {  	_ =	shalt  }
0x5b: {  	_ =	shalt  }
0x5c: {  	_ =	shalt  }
0x5d: {  	_ =	shalt  }
0x5e: {  	_ =	shalt  }
0x5f: {  	_ =	shalt  }
0x60: {  	_ =	shalt  }
0x61: {  	_ =	shalt  }
0x62: {  	_ =	shalt  }
0x63: {  	_ =	shalt  }
0x64: {  	_ =	shalt  }
0x65: {  	_ =	shalt  }
0x66: {  	_ =	shalt  }
0x67: {  	_ =	shalt  }
0x68: {  	_ =	shalt  }
0x69: {  	_ =	shalt  }
0x6a: {  	_ =	shalt  }
0x6b: {  	_ =	shalt  }
0x6c: {  	_ =	shalt  }
0x6d: {  	_ =	shalt  }
0x6e: {  	_ =	shalt  }
0x6f: {  	_ =	shalt  }
0x70: {  	_ =	shalt  }
0x71: {  	_ =	shalt  }
0x72: {  	_ =	shalt  }
0x73: {  	_ =	shalt  }
0x74: {  	_ =	shalt  }
0x75: {  	_ =	shalt  }
0x76: {  	_ =	shalt  }
0x77: {  	_ =	shalt  }
0x78: {  	_ =	shalt  }
0x79: {  	_ =	shalt  }
0x7a: {  	_ =	shalt  }
0x7b: {  	_ =	shalt  }
0x7c: {  	_ =	shalt  }
0x7d: {  	_ =	shalt  }
0x7e: {  	_ =	shalt  }
0x7f: {  	_ =	shalt  }
0x80: {  	_ =	shalt  }
0x81: {  	_ =	shalt  }
0x82: {  	_ =	shalt  }
0x83: {  	_ =	shalt  }
0x84: {  	_ =	shalt  }
0x85: {  	_ =	shalt  }
0x86: {  	_ =	shalt  }
0x87: {  	_ =	shalt  }
.Lfunc_end0:
.L_simem_size_0:
called_computation.1_lowered:
.L_overlay_start_0:
0x88: {  	s2 =	sld [smem:$0x3FD9]  }
0x89: {  	s3 =	sld [smem:$0x3FFE];
	_ =	sdelay $0x1  }
0x8a: {  	s1 =	srdreg.scid  }
0x8b: {  	s0 =	sand.u32 $0x1, s1  }
0x8c: {  	s17 =	sshll.u32 s0, $0xA;
	s2 =	sadd.s32 s3, s2  }
0x8d: {  	s2 =	sadd.s32 s2, s17  }
0x8e: {  	[smem:$0x3FC0] =	sst s2  }
0x8f: {  	_ = 	snop  }
0x90: {  	s2 =	sld [smem:$0x3FD0];
	(tm) =	ssettm $0x1  }
0x91: {  	s18 =	sld [smem:$0x3FFB];
	_ =	sdelay $0x3  }
0x92: {  	_ =	strace s18  }
0x93: {  	s3 =	sld [smem:$0x3FFC];
	_ =	sdelay $0x3  }
0x94: {  	_ =	strace s3  }
0x95: {  	s3 =	sld [smem:$0x3FFD];
	_ =	sdelay $0x3  }
0x96: {  	_ =	strace s3  }
0x97: {  	_ =	strace $0x8FFFFFFF  }
0x98: {  	s19 =	sld [smem:$0x3FDB];
	_ =	sdelay $0x1  }
0x99: {  	s4 =	simm.s32 $_scs_section_size  }
0x9a: {  	s5 =	simm.s32 $_size__tile_overlayer_lowered;
	s6 =	simm.s32 $_tile_overlayer_lowered  }
0x9b: {  	s22 =	simm.s32 $0x1BFF;
	s21 =	sshll.u32 s6, $0x1;
	s3 =	sadd.s32 s4, s19  }
0x9c: {  	s7 =	simm.s32 $0x0;
	s20 =	sshll.u32 s5, $0x1;
	s5 =	sadd.s32 s21, s3  }
0x9d: {  	[timem:s7], [sflag:s22] =	dma.local [hbm:s5], s20  }
0x9e: {  	_ =	swait.ge [sflag:s22], s20  }
0x9f: {  	s4 =	ssub.s32 $0x0, s20;
	[sflag:s22] =	ssyncset.done $0x0  }
0xa0: {  	[sflag:s22] =	ssyncadd.s32 s4;
	_ =	sdelay $0x1  }
0xa1: {  	s23 =	simm.s32 $0x1B8B  }
0xa2: {  	_ =	swait.ge [sflag:s23], $0x1  }
0xa3: {  	[sflag:s23] =	ssyncset.done $0x0  }
0xa4: {  	s25 =	simm.s32 $0x1B8E;
	s24 =	sld [smem:$0x3FFE];
	[sflag:s23] =	ssyncadd.s32 $0xFFFFFFFF  }
0xa5: {  	s26 =	simm.s32 $execute0_lowered;
	[smem:$0x3FD2] =	sst s25  }
0xa6: {  	s5 =	sshll.u32 s26, $0x1;
	_ =	strace $0x80000049;
	[dreg:$0x1] =	wrdreg $0xFFFFFFFF  }
0xa7: {  	s28 =	simm.s32 $_size_execute0_lowered;
	s3 =	sadd.s32 s3, s5;
	[dreg:$0x0] =	wrdreg $0x0  }
0xa8: {  	s5 =	sshll.u32 s28, $0x1;
	[dreg:$0x2] =	wrdreg s3  }
0xa9: {  	[dreg:$0x3] =	wrdreg s5  }
0xaa: {  	[dreg:$0x4] =	wrdreg $0xC0  }
0xab: {  	_ =	task [dreg:s7], $0x5FFFF  }
0xac: {  	[dreg:$0x1] =	wrdreg $0xFFFFFFFF  }
0xad: {  	[dreg:$0x0] =	wrdreg $0x60  }
0xae: {  	[dreg:$0x2] =	wrdreg s2  }
0xaf: {  	[dreg:$0x3] =	wrdreg s24  }
0xb0: {  	[dreg:$0x4] =	wrdreg $0xA8000  }
0xb1: {  	[dreg:$0x5] =	wrdreg $0x9  }
0xb2: {  	_ =	task.clear_ibuf [dreg:s7], $0x6FFFF;
	_ =	strace $0x90000049  }
0xb3: {  	s29 =	simm.s32 $0x9;
	_ =	strace $0x8000004B  }
0xb4: {  	_ =	swait.ge [sflag:s29], $0x1  }
0xb5: {  	[sflag:s29] =	ssyncadd.s32 $0xFFFFFFFF  }
0xb6: {  	_ =	strace $0x9000004B  }
0xb7: {  	_ =	sfence  }
0xb8: {  	s30 =	sld [smem:$0x0];
	_ =	sdelay $0x2  }
0xb9: {  	s31 =	sshll.u32 s1, $0xD;
	s1 =	sshrl.u32 s1, $0x2  }
0xba: {  	s3 =	sand.u32 $0x4000, s31;
	s1 =	sadd.s32 s1, s30  }
0xbb: {  	s0 =	sor.u32 s3, s0;
	s1 =	sshll.u32 s1, $0x11  }
0xbc: {  	s0 =	sor.u32 s1, s0  }
0xbd: {  	s0 =	sadd.s32 $0x8F2B, s0  }
0xbe: {  	[sflag:s0] =	ssyncadd.remote.s32 $0x1  }
0xbf: {  	_ =	sfence.sel $0xFFFF  }
0xc0: {  	[dreg:$0x0] =	wrdreg $0xFFFFFFFF;
	(pc) =	sbr.abs _section_cstart, $3  }
0xc1: {  	[dreg:$0x1] =	wrdreg $0xFFFFFFFF  }
0xc2: {  	_ =	task.clear_ibuf [dreg:s7], $0x2FFFF;
	_ =	strace $0x9FFFFFFF  }
0xc3: {  	(tm) =	ssettm $0x7FFFFFFF  }
tec
execute0_lowered:
.L_overlay_start_1:
0x0: {  	(tag) =	ssettag $0x1  }
0x1: {  	s0 =	rddreg [dreg:$0x0]  }
0x2: {  	s5 =	rddreg [dreg:$0x1]  }
0x3: {  	s1 =	srdreg.scid;
	s3 =	rddreg [dreg:$0x2]  }
0x4: {  	s2 =	stileid.u32;
	s4 =	simm.s32 $0x0;
	s17 =	simm.s32 $0x2  }
0x5: {  	s18 =	simm.s32 $0x1;
	s19 =	simm.s32 $0x80;
	s20 =	simm.s32 $0x2780  }
0x6: {  	s21 =	simm.s32 $0x6800;
	s6 =	sand.u32 $0x1, s1;
	s1 =	rddreg [dreg:$0x3]  }
0x7: {  	s22 =	simm.s32 $0x0;
	s8 =	smul.u32 $0x13C00, s2;
	[smem:$0x7FF] =	sst s4  }
0x8: {  	s12 =	sadd.s32 $0xCC00, s5;
	s26 =	smul.u32 $0x4F000, s2;
	s28 =	sshll.u32 s2, $0x1  }
0x9: {  	s13 =	sadd.s32 $0x2C00, s5;
	s7 =	smul.u32 $0x13C000, s6;
	s9 =	sor.u32 s6, s28  }
0xa: {  	_ =	strace $0x8000004A;
	s29 =	ssub.s32 $0x2, s6;
	s10 =	smul.u32 $0x2800, s9  }
0xb: {  	s31 =	sshrl.u32 s29, $0x1;
	s11 =	smul.u32 $0x500, s9;
	s7 =	sadd.s32 s8, s7  }
0xc: {  	s30 =	sshrl.u32 s26, $0x2;
	s15 =	ssub.s32 s29, s31;
	s7 =	sshrl.u32 s7, $0x3  }
0xd: {  	s16 =	sshrl.u32 s10, $0x3;
	s10 =	sadd.s32 s12, s11;
	s11 =	sadd.s32 s13, s11  }
0xe: {  	s15 =	smax.u32 s15, $0x1;
	s14 =	sadd.s32 s7, s5;
	s5 =	sadd.s32 s30, s3  }
0xf: {  	s16 =	sadd.s32 $0x280, s16;
	s6 =	sadd.s32 $0x4000, s5;
	s7 =	sadd.s32 $0x8000, s5  }
0x10: {  	s8 =	sadd.s32 $0xC000, s5;
	s9 =	sadd.s32 $0x10000, s5;
	s12 =	sadd.s32 s12, s16  }
0x11: {  	v0 =	vimm.f32 $0.0e+00;
	s13 =	sadd.s32 s13, s16;
	s14 =	sadd.s32 $0x16C00, s14;
	s16 =	simm.s32 $0x2800  }
.LBB2_1:
0x12: {  	s23 =	sand.u32 $0xFE00, s4  }
0x13: {  	s24 =	sand.u32 $0x70, s4;
	s25 =	sshrl.u32 s23, $0x2  }
0x14: {  	s23 =	simm.s32 $0x40;
	s25 =	sor.u32 s24, s25;
	s24 =	simm.s32 $0x0  }
.LBB2_2:
0x15: {  	p0 =	sne.s32 s23, $0xFFC0  }
0x16: {  	[tilespmem:s25+$0x2800] =	vst v0;
	s24 =	sadd.s32 $0x10, s24;
	s25 =	smov.u32 s23;
	s23 =	sadd.s32 $0x40, s23  }
.Ltmp0:
0x17: {  	(pc) =	sbr.rel @p0 .LBB2_2-.Ltmp0, $4  }
0x18: {  	_ = 	snop  }
0x19: {  	s25 =	sand.u32 $0xFE00, s25  }
0x1a: {  	s26 =	sand.u32 $0x70, s24;
	s25 =	sshrl.u32 s25, $0x2  }
0x1b: {  	s25 =	sor.u32 s26, s25  }
0x1c: {  	[tilespmem:s25+$0x2800] =	vst v0  }
0x1d: {  	[spmem:s5] =	stream.linear.scatter [tilespmem:s16], [sflag:$0x2], $0x4000, $0x38;
	[tilespmem:$0x1E400] =	vst v63  }
0x1e: {  	_ =	swait.ge [sflag:s17], $0x4000  }
0x1f: {  	[sflag:s17] =	ssyncset.done $0x0  }
0x20: {  	[sflag:s17] =	ssyncadd.s32 $0xFFFFC000  }
0x21: {  	[spmem:s6] =	stream.linear.scatter [tilespmem:s16], [sflag:$0x2], $0x4000, $0x38;
	[tilespmem:$0x1E400] =	vst v63  }
0x22: {  	_ =	swait.ge [sflag:s17], $0x4000  }
0x23: {  	[sflag:s17] =	ssyncset.done $0x0  }
0x24: {  	[sflag:s17] =	ssyncadd.s32 $0xFFFFC000  }
0x25: {  	[spmem:s7] =	stream.linear.scatter [tilespmem:s16], [sflag:$0x2], $0x4000, $0x38;
	[tilespmem:$0x1E400] =	vst v63  }
0x26: {  	_ =	swait.ge [sflag:s17], $0x4000  }
0x27: {  	[sflag:s17] =	ssyncset.done $0x0  }
0x28: {  	[sflag:s17] =	ssyncadd.s32 $0xFFFFC000  }
0x29: {  	[spmem:s8] =	stream.linear.scatter [tilespmem:s16], [sflag:$0x2], $0x4000, $0x38;
	[tilespmem:$0x1E400] =	vst v63  }
0x2a: {  	_ =	swait.ge [sflag:s17], $0x4000  }
0x2b: {  	[sflag:s17] =	ssyncset.done $0x0  }
0x2c: {  	[sflag:s17] =	ssyncadd.s32 $0xFFFFC000  }
0x2d: {  	[spmem:s9] =	stream.linear.scatter [tilespmem:s16], [sflag:$0x2], $0x3C00, $0x38;
	[tilespmem:$0x1E400] =	vst v63  }
0x2e: {  	_ =	swait.ge [sflag:s17], $0x3C00  }
0x2f: {  	[sflag:s17] =	ssyncset.done $0x0  }
0x30: {  	[sflag:s17] =	ssyncadd.s32 $0xFFFFC400  }
0x31: {  	s30 =	simm.s32 $0x0;
	[bflag:$0x0] =	sbarrier.arrive $0xFFFF  }
0x32: {  	[tilespmem:s30], [sflag:$0x2] =	stream.linear.gather [hbm4b:s10+s30], $0x1400, $0x38;
	[tilespmem:$0x1E400] =	vst v63  }
0x33: {  	_ =	swait.ge [sflag:s17], $0x1400  }
0x34: {  	[sflag:s17] =	ssyncset.done $0x0  }
0x35: {  	s23 =	simm.s32 $0x1400;
	[sflag:s17] =	ssyncadd.s32 $0xFFFFEC00  }
0x36: {  	[tilespmem:s23], [sflag:$0x2] =	stream.linear.gather [hbm4b:s11+s30], $0x1400, $0x38;
	[tilespmem:$0x1E400] =	vst v63  }
0x37: {  	_ =	swait.ge [sflag:s17], $0x1400  }
0x38: {  	[sflag:s17] =	ssyncset.done $0x0  }
0x39: {  	s24 =	simm.s32 $0x80;
	[sflag:s17] =	ssyncadd.s32 $0xFFFFEC00  }
0x3a: {  	[tilespmem:s16], [sflag:$0x1] =	stream.indirect.gather [hbm4b:s0+s24], $0x80, s30, s24, $0xb8;
	[tilespmem:$0x1E400] =	vst v63  }
0x3b: {  	s31 =	simm.s32 $0x0;
	_ =	swait.ge [sflag:s18], $0x4000  }
0x3c: {  	s25 =	sand.u32 $0x4000, s31;
	[sflag:s18] =	ssyncset.done $0x0  }
0x3d: {  	s26 =	sxor.u32 $0x6800, s25;
	[sflag:s18] =	ssyncadd.s32 $0xFFFFC000  }
0x3e: {  	[tilespmem:s26], [sflag:$0x1] =	stream.indirect.gather [hbm4b:s0+s19], $0x80, s24, s19, $0xb8;
	[tilespmem:$0x1E400] =	vst v63  }
0x3f: {  	s25 =	sor.u32 $0x2800, s25  }
0x40: {  	[spmem:s3] =	stream.indirect.scatter.add.f32 [tilespmem:s25], [sflag:$0x2], $0x80, s23, s19, $0xb8;
	[tilespmem:$0x1E400] =	vst v63  }
0x41: {  	_ =	swait.ge [sflag:s17], $0x4000  }
0x42: {  	s25 =	simm.s32 $0x1;
	[sflag:s17] =	ssyncset.done $0x0  }
.LBB2_4:
0x43: {  	[sflag:s17] =	ssyncadd.s32 $0xFFFFC000;
	s23 =	sadd.s32 $0x80, s23;
	s24 =	sadd.s32 $0x80, s24  }
0x44: {  	p0 =	sne.s32 s25, $0x26;
	s26 =	smov.u32 s25;
	s25 =	sadd.s32 $0x1, s25  }
0x45: {  	s26 =	sshll.u32 s26, $0xE;
	_ =	swait.ge [sflag:s18], $0x4000  }
0x46: {  	s26 =	sand.u32 $0x4000, s26;
	[sflag:s18] =	ssyncset.done $0x0  }
0x47: {  	s28 =	sxor.u32 $0x6800, s26;
	[sflag:s18] =	ssyncadd.s32 $0xFFFFC000  }
0x48: {  	[tilespmem:s28], [sflag:$0x1] =	stream.indirect.gather [hbm4b:s0+s19], $0x80, s24, s19, $0xb8;
	[tilespmem:$0x1E400] =	vst v63  }
.Ltmp1:
0x49: {  	_ = 	snop;
	(pc) =	sbr.rel @p0 .LBB2_4-.Ltmp1, $4  }
0x4a: {  	s26 =	sor.u32 $0x2800, s26  }
0x4b: {  	[spmem:s3] =	stream.indirect.scatter.add.f32 [tilespmem:s26], [sflag:$0x2], $0x80, s23, s19, $0xb8;
	[tilespmem:$0x1E400] =	vst v63  }
0x4c: {  	_ =	swait.ge [sflag:s17], $0x4000  }
0x4d: {  	[sflag:s17] =	ssyncset.done $0x0  }
0x4e: {  	[sflag:s17] =	ssyncadd.s32 $0xFFFFC000  }
0x4f: {  	_ =	swait.ge [sflag:s18], $0x4000  }
0x50: {  	[sflag:s18] =	ssyncset.done $0x0  }
0x51: {  	s23 =	simm.s32 $0x80;
	[sflag:s18] =	ssyncadd.s32 $0xFFFFC000  }
0x52: {  	[spmem:s3] =	stream.indirect.scatter.add.f32 [tilespmem:s21], [sflag:$0x2], $0x80, s20, s23, $0xb8;
	[tilespmem:$0x1E400] =	vst v63  }
0x53: {  	_ =	swait.ge [sflag:s17], $0x4000  }
0x54: {  	[sflag:s17] =	ssyncset.done $0x0  }
0x55: {  	s25 =	simm.s32 $0x0;
	[sflag:s17] =	ssyncadd.s32 $0xFFFFC000  }
0x56: {  	[tilespmem:s25], [sflag:$0x2] =	stream.linear.gather [hbm4b:s12+s25], $0x1400, $0x38;
	[tilespmem:$0x1E400] =	vst v63  }
0x57: {  	_ =	swait.ge [sflag:s17], $0x1400  }
0x58: {  	[sflag:s17] =	ssyncset.done $0x0  }
0x59: {  	s24 =	simm.s32 $0x1400;
	[sflag:s17] =	ssyncadd.s32 $0xFFFFEC00  }
0x5a: {  	[tilespmem:s24], [sflag:$0x2] =	stream.linear.gather [hbm4b:s13+s25], $0x1400, $0x38;
	[tilespmem:$0x1E400] =	vst v63  }
0x5b: {  	_ =	swait.ge [sflag:s17], $0x1400  }
0x5c: {  	[sflag:s17] =	ssyncset.done $0x0  }
0x5d: {  	[sflag:s17] =	ssyncadd.s32 $0xFFFFEC00  }
0x5e: {  	[tilespmem:s16], [sflag:$0x1] =	stream.indirect.gather [hbm4b:s0+s23], $0x80, s25, s23, $0xb8;
	[tilespmem:$0x1E400] =	vst v63  }
0x5f: {  	s31 =	simm.s32 $0x0;
	_ =	swait.ge [sflag:s18], $0x4000  }
0x60: {  	s25 =	sand.u32 $0x4000, s31;
	[sflag:s18] =	ssyncset.done $0x0  }
0x61: {  	s26 =	sxor.u32 $0x6800, s25;
	[sflag:s18] =	ssyncadd.s32 $0xFFFFC000  }
0x62: {  	[tilespmem:s26], [sflag:$0x1] =	stream.indirect.gather [hbm4b:s0+s19], $0x80, s23, s19, $0xb8;
	[tilespmem:$0x1E400] =	vst v63  }
0x63: {  	s25 =	sor.u32 $0x2800, s25  }
0x64: {  	[spmem:s3] =	stream.indirect.scatter.add.f32 [tilespmem:s25], [sflag:$0x2], $0x80, s24, s19, $0xb8;
	[tilespmem:$0x1E400] =	vst v63  }
0x65: {  	_ =	swait.ge [sflag:s17], $0x4000  }
0x66: {  	s25 =	simm.s32 $0x1;
	[sflag:s17] =	ssyncset.done $0x0  }
.LBB2_6:
0x67: {  	[sflag:s17] =	ssyncadd.s32 $0xFFFFC000;
	s24 =	sadd.s32 $0x80, s24;
	s23 =	sadd.s32 $0x80, s23  }
0x68: {  	p0 =	sne.s32 s25, $0x26;
	s26 =	smov.u32 s25;
	s25 =	sadd.s32 $0x1, s25  }
0x69: {  	s26 =	sshll.u32 s26, $0xE;
	_ =	swait.ge [sflag:s18], $0x4000  }
0x6a: {  	s26 =	sand.u32 $0x4000, s26;
	[sflag:s18] =	ssyncset.done $0x0  }
0x6b: {  	s28 =	sxor.u32 $0x6800, s26;
	[sflag:s18] =	ssyncadd.s32 $0xFFFFC000  }
0x6c: {  	[tilespmem:s28], [sflag:$0x1] =	stream.indirect.gather [hbm4b:s0+s19], $0x80, s23, s19, $0xb8;
	[tilespmem:$0x1E400] =	vst v63  }
.Ltmp2:
0x6d: {  	_ = 	snop;
	(pc) =	sbr.rel @p0 .LBB2_6-.Ltmp2, $4  }
0x6e: {  	s26 =	sor.u32 $0x2800, s26  }
0x6f: {  	[spmem:s3] =	stream.indirect.scatter.add.f32 [tilespmem:s26], [sflag:$0x2], $0x80, s24, s19, $0xb8;
	[tilespmem:$0x1E400] =	vst v63  }
0x70: {  	_ =	swait.ge [sflag:s17], $0x4000  }
0x71: {  	[sflag:s17] =	ssyncset.done $0x0  }
0x72: {  	[sflag:s17] =	ssyncadd.s32 $0xFFFFC000  }
0x73: {  	_ =	swait.ge [sflag:s18], $0x4000  }
0x74: {  	[sflag:s18] =	ssyncset.done $0x0  }
0x75: {  	[sflag:s18] =	ssyncadd.s32 $0xFFFFC000  }
0x76: {  	[spmem:s3] =	stream.indirect.scatter.add.f32 [tilespmem:s21], [sflag:$0x2], $0x80, s20, s19, $0xb8;
	[tilespmem:$0x1E400] =	vst v63  }
0x77: {  	_ =	swait.ge [sflag:s17], $0x4000  }
0x78: {  	s23 =	sshll.u32 s2, $0x6;
	s22 =	sadd.s32 $0x1, s22;
	[sflag:s17] =	ssyncset.done $0x0  }
0x79: {  	s24 =	sshrl.u32 s5, $0x3;
	p0 =	sne.s32 s22, s15;
	[sflag:s17] =	ssyncadd.s32 $0xFFFFC000  }
.Ltmp3:
0x7a: {  	s23 =	sor.u32 $0x1C02, s23;
	[bflag:$0x0] =	sbarrier.arrive $0xFFFF;
	(pc) =	sbr.rel @p0 .LBB2_1-.Ltmp3, $4  }
0x7b: {  	[hbm:s14], [sflag:s23] =	dma.local [spmem:s24], $0x2780  }
0x7c: {  	_ =	swait.ge [sflag:s17], $0x2780  }
0x7d: {  	[sflag:s17] =	ssyncset.done $0x0  }
0x7e: {  	[sflag:s17] =	ssyncadd.s32 $0xFFFFD880  }
0x7f: {  	_ =	sfence.sel $0x180000  }
0x80: {  	[bflag:$0x0] =	sbarrier.arrive $0xFFFF  }
0x81: {  	p0 =	sne.s32 s2, $0x0;
	_ =	strace $0x9000004A  }
0x82: {  	s0 =	sadd.s32 @!p0 $0x100000, s1;
	[bflag:$0x2] =	sbarrier.arrive $0xFFFF  }
0x83: {  	[sflag:s0] =	ssyncadd.tile.s32 @!p0 $0x1;
	_ =	shalt  }
.Lfunc_end2:
_tile_overlayer_lowered:
.L_overlay_start_2:
0x84: {  	(tag) =	ssettag $0x2  }
0x85: {  	s0 =	rddreg [dreg:$0x0];
	s2 =	stileid.u32  }
0x86: {  	s1 =	rddreg [dreg:$0x1];
	p0 =	sne.s32 s2, $0x0  }
0x87: {  	s3 =	rddreg [dreg:$0x2];
	[bflag:$0x3] =	sbarrier.arrive $0xFFFF;
	s2 =	simm.s32 @!p0 $0x1C02  }
0x88: {  	[timem:s3], [sflag:s2] =	dma.local @!p0 [hbm:s0], s1  }
0x89: {  	s0 =	simm.s32 @!p0 $0x2  }
0x8a: {  	_ =	swait.ge @!p0 [sflag:s0], s1  }
0x8b: {  	s1 =	ssub.s32 @!p0 $0x0, s1;
	[sflag:s0] =	ssyncset.done @!p0 $0x0  }
0x8c: {  	[sflag:s0] =	ssyncadd.s32 @!p0 s1  }
0x8d: {  	[bflag:$0x3] =	sbarrier.arrive $0xFFFF  }
0x8e: {  	_ =	shalt  }

// kernel: kernel.14.cloned.1.call-start
scs
__scs_entry_jumppad:
0x0: {  	(pc) =	sbr.rel $0x88, $3  }
0x1: {  	(tag) =	ssettag $0x0;
	lr =	simm.s32 $0x1  }
0x2: {  	[smem:$0x3F99] =	sst lr;
	_ =	strace $0xD0000000  }
0x3: {  	_ = 	snop  }
0x4: {  	_ = 	snop  }
0x5: {  	_ = 	snop  }
0x6: {  	_ = 	snop  }
0x7: {  	_ = 	snop  }
__scs_overlays_trampoline_lowered:
0x8: {  	[smem:$0x3FA8] =	sst s0  }
0x9: {  	[smem:$0x3FA9] =	sst s1  }
0xa: {  	[smem:$0x3FAA] =	sst s2  }
0xb: {  	[smem:$0x3FAB] =	sst s3  }
0xc: {  	[smem:$0x3FAC] =	sst s4  }
0xd: {  	[smem:$0x3FAD] =	sst s5  }
0xe: {  	[smem:$0x3FAE] =	sst s6  }
0xf: {  	[smem:$0x3FAF] =	sst s7  }
0x10: {  	[smem:$0x3FB0] =	sst s8  }
0x11: {  	[smem:$0x3FB1] =	sst s9;
	s0 =	simm.s32 @!p0 $0x0  }
0x12: {  	s1 =	sld [smem:$0x3F97];
	s0 =	simm.s32 @p0 $0x1  }
0x13: {  	[smem:$0x3FB2] =	sst s0;
	s0 =	simm.s32 @!p1 $0x0  }
0x14: {  	s2 =	sld [smem:$0x3F96];
	s0 =	simm.s32 @p1 $0x1  }
0x15: {  	[smem:$0x3FB3] =	sst s0;
	s0 =	simm.s32 @!p2 $0x0  }
0x16: {  	s3 =	sld [smem:$0x3FDB];
	s0 =	simm.s32 @p2 $0x1  }
0x17: {  	s4 =	simm.s32 $0x1BF5;
	[smem:$0x3FB5] =	sst s0  }
0x18: {  	s0 =	sld [smem:$0x3F98];
	_ =	swait.ge [sflag:s4], $0x0  }
0x19: {  	s7 =	sld [smem:$0x3F99]  }
0x1a: {  	s8 =	sadd.s32 $0xFFFFE003, lr  }
0x1b: {  	s9 =	sadd.s32 $0xFFFFFEF7, lr;
	s5 =	simm.s32 $0xFFFFFFFF;
	p2 =	slt.u32 s8, $0xFFFFF086  }
0x1c: {  	p1 =	slt.u32 s9, $0xF7A;
	s5 =	simm.s32 @!p2 $0x0  }
0x1d: {  	s5 =	simm.s32 @p1 $0x1;
	p0 =	seq.s32 s7, s2  }
0x1e: {  	s7 =	smul.u32 @!p0 $0xF7A, s2;
	p2 =	seq.s32 @!p0 s5, $0x0  }
0x1f: {  	s9 =	smul.u32 $0xF7A, s1;
	s8 =	simm.s32 @!p0 $0x1BF5;
	p2 =	por !p2, p0  }
0x20: {  	[sflag:s8] =	ssyncset.s32 @!p0 $0xFFFFF086;
	s6 =	sadd.s32 @!p0 s3, s7;
	s7 =	simm.s32 @!p0 $0x108  }
0x21: {  	s3 =	sadd.s32 s3, s9;
	s6 =	sadd.s32 @!p0 $0x88, s6;
	s7 =	simm.s32 @p2 $0x1082  }
0x22: {  	[simem:s7], [sflag:s8] =	dma.local @!p0 [hbm:s6], $0xF7A  }
0x23: {  	s9 =	sor.u32 $0xD0000000, s2;
	s6 =	simm.s32 $0x108;
	_ =	swait.ge @!p0 [sflag:s8], $0x0  }
0x24: {  	s3 =	sadd.s32 $0x88, s3;
	s6 =	simm.s32 @!p1 $0x1082;
	[sflag:s4] =	ssyncset.s32 $0xFFFFF086  }
0x25: {  	[simem:s6], [sflag:s4] =	dma.local [hbm:s3], $0xF7A  }
0x26: {  	[smem:$0x3F99] =	sst s1;
	(tag) =	ssettag s2;
	_ =	strace s9  }
0x27: {  	s1 =	sld [smem:$0x3FA9]  }
0x28: {  	s2 =	sld [smem:$0x3FAA]  }
0x29: {  	s4 =	sld [smem:$0x3FAC]  }
0x2a: {  	p0 =	seq.s32 s5, $0x0;
	s5 =	sld [smem:$0x3FAD]  }
0x2b: {  	s6 =	sld [smem:$0x3FAE]  }
0x2c: {  	s7 =	sld [smem:$0x3FAF]  }
0x2d: {  	s3 =	simm.s32 $0x108;
	s8 =	sld [smem:$0x3FB0]  }
0x2e: {  	s3 =	simm.s32 @!p0 $0x1082;
	s9 =	sld [smem:$0x3FB1]  }
0x2f: {  	lr =	sadd.s32 s0, s3;
	s0 =	sld [smem:$0x3FA8]  }
0x30: {  	s3 =	sld [smem:$0x3FAB]  }
0x31: {  	[smem:$0x3FB4] =	sst s10  }
0x32: {  	s10 =	sld [smem:$0x3FB2];
	_ =	sdelay $0x3  }
0x33: {  	p0 =	seq.s32 s10, $0x1;
	s10 =	sld [smem:$0x3FB4];
	_ =	sdelay $0x3  }
0x34: {  	[smem:$0x3FB4] =	sst s10  }
0x35: {  	s10 =	sld [smem:$0x3FB3];
	_ =	sdelay $0x3  }
0x36: {  	p1 =	seq.s32 s10, $0x1;
	s10 =	sld [smem:$0x3FB4];
	_ =	sdelay $0x3  }
0x37: {  	[smem:$0x3FB4] =	sst s10  }
0x38: {  	s10 =	sld [smem:$0x3FB5]  }
0x39: {  	_ = 	snop;
	(pc) =	sbr.ind lr, $3  }
0x3a: {  	_ = 	snop  }
0x3b: {  	_ = 	snop  }
0x3c: {  	p2 =	seq.s32 s10, $0x1;
	s10 =	sld [smem:$0x3FB4]  }
0x3d: {  	_ =	shalt  }
0x3e: {  	_ =	shalt  }
0x3f: {  	_ =	shalt  }
0x40: {  	_ =	shalt  }
0x41: {  	_ =	shalt  }
0x42: {  	_ =	shalt  }
0x43: {  	_ =	shalt  }
0x44: {  	_ =	shalt  }
0x45: {  	_ =	shalt  }
0x46: {  	_ =	shalt  }
0x47: {  	_ =	shalt  }
0x48: {  	_ =	shalt  }
0x49: {  	_ =	shalt  }
0x4a: {  	_ =	shalt  }
0x4b: {  	_ =	shalt  }
0x4c: {  	_ =	shalt  }
0x4d: {  	_ =	shalt  }
0x4e: {  	_ =	shalt  }
0x4f: {  	_ =	shalt  }
0x50: {  	_ =	shalt  }
0x51: {  	_ =	shalt  }
0x52: {  	_ =	shalt  }
0x53: {  	_ =	shalt  }
0x54: {  	_ =	shalt  }
0x55: {  	_ =	shalt  }
0x56: {  	_ =	shalt  }
0x57: {  	_ =	shalt  }
0x58: {  	_ =	shalt  }
0x59: {  	_ =	shalt  }
0x5a: {  	_ =	shalt  }
0x5b: {  	_ =	shalt  }
0x5c: {  	_ =	shalt  }
0x5d: {  	_ =	shalt  }
0x5e: {  	_ =	shalt  }
0x5f: {  	_ =	shalt  }
0x60: {  	_ =	shalt  }
0x61: {  	_ =	shalt  }
0x62: {  	_ =	shalt  }
0x63: {  	_ =	shalt  }
0x64: {  	_ =	shalt  }
0x65: {  	_ =	shalt  }
0x66: {  	_ =	shalt  }
0x67: {  	_ =	shalt  }
0x68: {  	_ =	shalt  }
0x69: {  	_ =	shalt  }
0x6a: {  	_ =	shalt  }
0x6b: {  	_ =	shalt  }
0x6c: {  	_ =	shalt  }
0x6d: {  	_ =	shalt  }
0x6e: {  	_ =	shalt  }
0x6f: {  	_ =	shalt  }
0x70: {  	_ =	shalt  }
0x71: {  	_ =	shalt  }
0x72: {  	_ =	shalt  }
0x73: {  	_ =	shalt  }
0x74: {  	_ =	shalt  }
0x75: {  	_ =	shalt  }
0x76: {  	_ =	shalt  }
0x77: {  	_ =	shalt  }
0x78: {  	_ =	shalt  }
0x79: {  	_ =	shalt  }
0x7a: {  	_ =	shalt  }
0x7b: {  	_ =	shalt  }
0x7c: {  	_ =	shalt  }
0x7d: {  	_ =	shalt  }
0x7e: {  	_ =	shalt  }
0x7f: {  	_ =	shalt  }
0x80: {  	_ =	shalt  }
0x81: {  	_ =	shalt  }
0x82: {  	_ =	shalt  }
0x83: {  	_ =	shalt  }
0x84: {  	_ =	shalt  }
0x85: {  	_ =	shalt  }
0x86: {  	_ =	shalt  }
0x87: {  	_ =	shalt  }
.Lfunc_end0:
.L_simem_size_0:
called_computation.2_lowered:
.L_overlay_start_0:
0x88: {  	s2 =	sld [smem:$0x3FD9]  }
0x89: {  	s3 =	sld [smem:$0x3FFE];
	_ =	sdelay $0x1  }
0x8a: {  	s1 =	srdreg.scid  }
0x8b: {  	s0 =	sand.u32 $0x1, s1  }
0x8c: {  	s17 =	sshll.u32 s0, $0xA;
	s2 =	sadd.s32 s3, s2  }
0x8d: {  	s2 =	sadd.s32 s2, s17  }
0x8e: {  	[smem:$0x3FC0] =	sst s2  }
0x8f: {  	_ = 	snop  }
0x90: {  	s2 =	sld [smem:$0x3FD0];
	(tm) =	ssettm $0x1  }
0x91: {  	s18 =	sld [smem:$0x3FFB];
	_ =	sdelay $0x3  }
0x92: {  	_ =	strace s18  }
0x93: {  	s3 =	sld [smem:$0x3FFC];
	_ =	sdelay $0x3  }
0x94: {  	_ =	strace s3  }
0x95: {  	s3 =	sld [smem:$0x3FFD];
	_ =	sdelay $0x3  }
0x96: {  	_ =	strace s3  }
0x97: {  	_ =	strace $0x8FFFFFFF  }
0x98: {  	s19 =	sld [smem:$0x3FDB];
	_ =	sdelay $0x1  }
0x99: {  	s4 =	simm.s32 $_scs_section_size  }
0x9a: {  	s5 =	simm.s32 $_size__tile_overlayer_lowered;
	s6 =	simm.s32 $_tile_overlayer_lowered  }
0x9b: {  	s22 =	simm.s32 $0x1BFF;
	s21 =	sshll.u32 s6, $0x1;
	s3 =	sadd.s32 s4, s19  }
0x9c: {  	s7 =	simm.s32 $0x0;
	s20 =	sshll.u32 s5, $0x1;
	s5 =	sadd.s32 s21, s3  }
0x9d: {  	[timem:s7], [sflag:s22] =	dma.local [hbm:s5], s20  }
0x9e: {  	_ =	swait.ge [sflag:s22], s20  }
0x9f: {  	s4 =	ssub.s32 $0x0, s20;
	[sflag:s22] =	ssyncset.done $0x0  }
0xa0: {  	[sflag:s22] =	ssyncadd.s32 s4;
	_ =	sdelay $0x1  }
0xa1: {  	s23 =	simm.s32 $0x1B8B  }
0xa2: {  	_ =	swait.ge [sflag:s23], $0x1  }
0xa3: {  	[sflag:s23] =	ssyncset.done $0x0  }
0xa4: {  	s25 =	simm.s32 $0x1B8E;
	s24 =	sld [smem:$0x3FFE];
	[sflag:s23] =	ssyncadd.s32 $0xFFFFFFFF  }
0xa5: {  	s26 =	simm.s32 $execute0_lowered;
	[smem:$0x3FD2] =	sst s25  }
0xa6: {  	s5 =	sshll.u32 s26, $0x1;
	_ =	strace $0x8000004C;
	[dreg:$0x1] =	wrdreg $0xFFFFFFFF  }
0xa7: {  	s28 =	simm.s32 $_size_execute0_lowered;
	s3 =	sadd.s32 s3, s5;
	[dreg:$0x0] =	wrdreg $0x0  }
0xa8: {  	s5 =	sshll.u32 s28, $0x1;
	[dreg:$0x2] =	wrdreg s3  }
0xa9: {  	[dreg:$0x3] =	wrdreg s5  }
0xaa: {  	[dreg:$0x4] =	wrdreg $0xC0  }
0xab: {  	_ =	task [dreg:s7], $0x5FFFF  }
0xac: {  	[dreg:$0x1] =	wrdreg $0xFFFFFFFF  }
0xad: {  	[dreg:$0x0] =	wrdreg $0x60  }
0xae: {  	[dreg:$0x2] =	wrdreg s2  }
0xaf: {  	[dreg:$0x3] =	wrdreg s24  }
0xb0: {  	[dreg:$0x4] =	wrdreg $0xA8000  }
0xb1: {  	[dreg:$0x5] =	wrdreg $0x9  }
0xb2: {  	_ =	task.clear_ibuf [dreg:s7], $0x6FFFF;
	_ =	strace $0x9000004C  }
0xb3: {  	s29 =	simm.s32 $0x9;
	_ =	strace $0x8000004E  }
0xb4: {  	_ =	swait.ge [sflag:s29], $0x1  }
0xb5: {  	[sflag:s29] =	ssyncadd.s32 $0xFFFFFFFF  }
0xb6: {  	_ =	strace $0x9000004E  }
0xb7: {  	_ =	sfence  }
0xb8: {  	s30 =	sld [smem:$0x0];
	_ =	sdelay $0x2  }
0xb9: {  	s31 =	sshll.u32 s1, $0xD;
	s1 =	sshrl.u32 s1, $0x2  }
0xba: {  	s3 =	sand.u32 $0x4000, s31;
	s1 =	sadd.s32 s1, s30  }
0xbb: {  	s0 =	sor.u32 s3, s0;
	s1 =	sshll.u32 s1, $0x11  }
0xbc: {  	s0 =	sor.u32 s1, s0  }
0xbd: {  	s0 =	sadd.s32 $0x8F2B, s0  }
0xbe: {  	[sflag:s0] =	ssyncadd.remote.s32 $0x1  }
0xbf: {  	_ =	sfence.sel $0xFFFF  }
0xc0: {  	[dreg:$0x0] =	wrdreg $0xFFFFFFFF;
	(pc) =	sbr.abs _section_cstart, $3  }
0xc1: {  	[dreg:$0x1] =	wrdreg $0xFFFFFFFF  }
0xc2: {  	_ =	task.clear_ibuf [dreg:s7], $0x2FFFF;
	_ =	strace $0x9FFFFFFF  }
0xc3: {  	(tm) =	ssettm $0x7FFFFFFF  }
tec
execute0_lowered:
.L_overlay_start_1:
0x0: {  	(tag) =	ssettag $0x1  }
0x1: {  	s0 =	rddreg [dreg:$0x0]  }
0x2: {  	s5 =	rddreg [dreg:$0x1]  }
0x3: {  	s1 =	srdreg.scid;
	s3 =	rddreg [dreg:$0x2]  }
0x4: {  	s2 =	stileid.u32;
	s4 =	simm.s32 $0x0;
	s17 =	simm.s32 $0x2  }
0x5: {  	s18 =	simm.s32 $0x1;
	s19 =	simm.s32 $0x80;
	s20 =	simm.s32 $0x2780  }
0x6: {  	s21 =	simm.s32 $0x6800;
	s6 =	sand.u32 $0x1, s1;
	s1 =	rddreg [dreg:$0x3]  }
0x7: {  	s22 =	simm.s32 $0x0;
	s8 =	smul.u32 $0x13C00, s2;
	[smem:$0x7FF] =	sst s4  }
0x8: {  	s12 =	sadd.s32 $0xCC00, s5;
	s26 =	smul.u32 $0x4F000, s2;
	s28 =	sshll.u32 s2, $0x1  }
0x9: {  	s13 =	sadd.s32 $0x2C00, s5;
	s7 =	smul.u32 $0x13C000, s6;
	s9 =	sor.u32 s6, s28  }
0xa: {  	_ =	strace $0x8000004D;
	s29 =	ssub.s32 $0x2, s6;
	s10 =	smul.u32 $0x2800, s9  }
0xb: {  	s31 =	sshrl.u32 s29, $0x1;
	s11 =	smul.u32 $0x500, s9;
	s7 =	sadd.s32 s8, s7  }
0xc: {  	s30 =	sshrl.u32 s26, $0x2;
	s15 =	ssub.s32 s29, s31;
	s7 =	sshrl.u32 s7, $0x3  }
0xd: {  	s16 =	sshrl.u32 s10, $0x3;
	s10 =	sadd.s32 s12, s11;
	s11 =	sadd.s32 s13, s11  }
0xe: {  	s15 =	smax.u32 s15, $0x1;
	s14 =	sadd.s32 s7, s5;
	s5 =	sadd.s32 s30, s3  }
0xf: {  	s16 =	sadd.s32 $0x280, s16;
	s6 =	sadd.s32 $0x4000, s5;
	s7 =	sadd.s32 $0x8000, s5  }
0x10: {  	s8 =	sadd.s32 $0xC000, s5;
	s9 =	sadd.s32 $0x10000, s5;
	s12 =	sadd.s32 s12, s16  }
0x11: {  	v0 =	vimm.f32 $0.0e+00;
	s13 =	sadd.s32 s13, s16;
	s14 =	sadd.s32 $0x16C00, s14;
	s16 =	simm.s32 $0x2800  }
.LBB2_1:
0x12: {  	s23 =	sand.u32 $0xFE00, s4  }
0x13: {  	s24 =	sand.u32 $0x70, s4;
	s25 =	sshrl.u32 s23, $0x2  }
0x14: {  	s23 =	simm.s32 $0x40;
	s25 =	sor.u32 s24, s25;
	s24 =	simm.s32 $0x0  }
.LBB2_2:
0x15: {  	p0 =	sne.s32 s23, $0xFFC0  }
0x16: {  	[tilespmem:s25+$0x2800] =	vst v0;
	s24 =	sadd.s32 $0x10, s24;
	s25 =	smov.u32 s23;
	s23 =	sadd.s32 $0x40, s23  }
.Ltmp0:
0x17: {  	(pc) =	sbr.rel @p0 .LBB2_2-.Ltmp0, $4  }
0x18: {  	_ = 	snop  }
0x19: {  	s25 =	sand.u32 $0xFE00, s25  }
0x1a: {  	s26 =	sand.u32 $0x70, s24;
	s25 =	sshrl.u32 s25, $0x2  }
0x1b: {  	s25 =	sor.u32 s26, s25  }
0x1c: {  	[tilespmem:s25+$0x2800] =	vst v0  }
0x1d: {  	[spmem:s5] =	stream.linear.scatter [tilespmem:s16], [sflag:$0x2], $0x4000, $0x38;
	[tilespmem:$0x1E400] =	vst v63  }
0x1e: {  	_ =	swait.ge [sflag:s17], $0x4000  }
0x1f: {  	[sflag:s17] =	ssyncset.done $0x0  }
0x20: {  	[sflag:s17] =	ssyncadd.s32 $0xFFFFC000  }
0x21: {  	[spmem:s6] =	stream.linear.scatter [tilespmem:s16], [sflag:$0x2], $0x4000, $0x38;
	[tilespmem:$0x1E400] =	vst v63  }
0x22: {  	_ =	swait.ge [sflag:s17], $0x4000  }
0x23: {  	[sflag:s17] =	ssyncset.done $0x0  }
0x24: {  	[sflag:s17] =	ssyncadd.s32 $0xFFFFC000  }
0x25: {  	[spmem:s7] =	stream.linear.scatter [tilespmem:s16], [sflag:$0x2], $0x4000, $0x38;
	[tilespmem:$0x1E400] =	vst v63  }
0x26: {  	_ =	swait.ge [sflag:s17], $0x4000  }
0x27: {  	[sflag:s17] =	ssyncset.done $0x0  }
0x28: {  	[sflag:s17] =	ssyncadd.s32 $0xFFFFC000  }
0x29: {  	[spmem:s8] =	stream.linear.scatter [tilespmem:s16], [sflag:$0x2], $0x4000, $0x38;
	[tilespmem:$0x1E400] =	vst v63  }
0x2a: {  	_ =	swait.ge [sflag:s17], $0x4000  }
0x2b: {  	[sflag:s17] =	ssyncset.done $0x0  }
0x2c: {  	[sflag:s17] =	ssyncadd.s32 $0xFFFFC000  }
0x2d: {  	[spmem:s9] =	stream.linear.scatter [tilespmem:s16], [sflag:$0x2], $0x3C00, $0x38;
	[tilespmem:$0x1E400] =	vst v63  }
0x2e: {  	_ =	swait.ge [sflag:s17], $0x3C00  }
0x2f: {  	[sflag:s17] =	ssyncset.done $0x0  }
0x30: {  	[sflag:s17] =	ssyncadd.s32 $0xFFFFC400  }
0x31: {  	s30 =	simm.s32 $0x0;
	[bflag:$0x0] =	sbarrier.arrive $0xFFFF  }
0x32: {  	[tilespmem:s30], [sflag:$0x2] =	stream.linear.gather [hbm4b:s10+s30], $0x1400, $0x38;
	[tilespmem:$0x1E400] =	vst v63  }
0x33: {  	_ =	swait.ge [sflag:s17], $0x1400  }
0x34: {  	[sflag:s17] =	ssyncset.done $0x0  }
0x35: {  	s23 =	simm.s32 $0x1400;
	[sflag:s17] =	ssyncadd.s32 $0xFFFFEC00  }
0x36: {  	[tilespmem:s23], [sflag:$0x2] =	stream.linear.gather [hbm4b:s11+s30], $0x1400, $0x38;
	[tilespmem:$0x1E400] =	vst v63  }
0x37: {  	_ =	swait.ge [sflag:s17], $0x1400  }
0x38: {  	[sflag:s17] =	ssyncset.done $0x0  }
0x39: {  	s24 =	simm.s32 $0x80;
	[sflag:s17] =	ssyncadd.s32 $0xFFFFEC00  }
0x3a: {  	[tilespmem:s16], [sflag:$0x1] =	stream.indirect.gather [hbm4b:s0+s24], $0x80, s30, s24, $0xb8;
	[tilespmem:$0x1E400] =	vst v63  }
0x3b: {  	s31 =	simm.s32 $0x0;
	_ =	swait.ge [sflag:s18], $0x4000  }
0x3c: {  	s25 =	sand.u32 $0x4000, s31;
	[sflag:s18] =	ssyncset.done $0x0  }
0x3d: {  	s26 =	sxor.u32 $0x6800, s25;
	[sflag:s18] =	ssyncadd.s32 $0xFFFFC000  }
0x3e: {  	[tilespmem:s26], [sflag:$0x1] =	stream.indirect.gather [hbm4b:s0+s19], $0x80, s24, s19, $0xb8;
	[tilespmem:$0x1E400] =	vst v63  }
0x3f: {  	s25 =	sor.u32 $0x2800, s25  }
0x40: {  	[spmem:s3] =	stream.indirect.scatter.add.f32 [tilespmem:s25], [sflag:$0x2], $0x80, s23, s19, $0xb8;
	[tilespmem:$0x1E400] =	vst v63  }
0x41: {  	_ =	swait.ge [sflag:s17], $0x4000  }
0x42: {  	s25 =	simm.s32 $0x1;
	[sflag:s17] =	ssyncset.done $0x0  }
.LBB2_4:
0x43: {  	[sflag:s17] =	ssyncadd.s32 $0xFFFFC000;
	s23 =	sadd.s32 $0x80, s23;
	s24 =	sadd.s32 $0x80, s24  }
0x44: {  	p0 =	sne.s32 s25, $0x26;
	s26 =	smov.u32 s25;
	s25 =	sadd.s32 $0x1, s25  }
0x45: {  	s26 =	sshll.u32 s26, $0xE;
	_ =	swait.ge [sflag:s18], $0x4000  }
0x46: {  	s26 =	sand.u32 $0x4000, s26;
	[sflag:s18] =	ssyncset.done $0x0  }
0x47: {  	s28 =	sxor.u32 $0x6800, s26;
	[sflag:s18] =	ssyncadd.s32 $0xFFFFC000  }
0x48: {  	[tilespmem:s28], [sflag:$0x1] =	stream.indirect.gather [hbm4b:s0+s19], $0x80, s24, s19, $0xb8;
	[tilespmem:$0x1E400] =	vst v63  }
.Ltmp1:
0x49: {  	_ = 	snop;
	(pc) =	sbr.rel @p0 .LBB2_4-.Ltmp1, $4  }
0x4a: {  	s26 =	sor.u32 $0x2800, s26  }
0x4b: {  	[spmem:s3] =	stream.indirect.scatter.add.f32 [tilespmem:s26], [sflag:$0x2], $0x80, s23, s19, $0xb8;
	[tilespmem:$0x1E400] =	vst v63  }
0x4c: {  	_ =	swait.ge [sflag:s17], $0x4000  }
0x4d: {  	[sflag:s17] =	ssyncset.done $0x0  }
0x4e: {  	[sflag:s17] =	ssyncadd.s32 $0xFFFFC000  }
0x4f: {  	_ =	swait.ge [sflag:s18], $0x4000  }
0x50: {  	[sflag:s18] =	ssyncset.done $0x0  }
0x51: {  	s23 =	simm.s32 $0x80;
	[sflag:s18] =	ssyncadd.s32 $0xFFFFC000  }
0x52: {  	[spmem:s3] =	stream.indirect.scatter.add.f32 [tilespmem:s21], [sflag:$0x2], $0x80, s20, s23, $0xb8;
	[tilespmem:$0x1E400] =	vst v63  }
0x53: {  	_ =	swait.ge [sflag:s17], $0x4000  }
0x54: {  	[sflag:s17] =	ssyncset.done $0x0  }
0x55: {  	s25 =	simm.s32 $0x0;
	[sflag:s17] =	ssyncadd.s32 $0xFFFFC000  }
0x56: {  	[tilespmem:s25], [sflag:$0x2] =	stream.linear.gather [hbm4b:s12+s25], $0x1400, $0x38;
	[tilespmem:$0x1E400] =	vst v63  }
0x57: {  	_ =	swait.ge [sflag:s17], $0x1400  }
0x58: {  	[sflag:s17] =	ssyncset.done $0x0  }
0x59: {  	s24 =	simm.s32 $0x1400;
	[sflag:s17] =	ssyncadd.s32 $0xFFFFEC00  }
0x5a: {  	[tilespmem:s24], [sflag:$0x2] =	stream.linear.gather [hbm4b:s13+s25], $0x1400, $0x38;
	[tilespmem:$0x1E400] =	vst v63  }
0x5b: {  	_ =	swait.ge [sflag:s17], $0x1400  }
0x5c: {  	[sflag:s17] =	ssyncset.done $0x0  }
0x5d: {  	[sflag:s17] =	ssyncadd.s32 $0xFFFFEC00  }
0x5e: {  	[tilespmem:s16], [sflag:$0x1] =	stream.indirect.gather [hbm4b:s0+s23], $0x80, s25, s23, $0xb8;
	[tilespmem:$0x1E400] =	vst v63  }
0x5f: {  	s31 =	simm.s32 $0x0;
	_ =	swait.ge [sflag:s18], $0x4000  }
0x60: {  	s25 =	sand.u32 $0x4000, s31;
	[sflag:s18] =	ssyncset.done $0x0  }
0x61: {  	s26 =	sxor.u32 $0x6800, s25;
	[sflag:s18] =	ssyncadd.s32 $0xFFFFC000  }
0x62: {  	[tilespmem:s26], [sflag:$0x1] =	stream.indirect.gather [hbm4b:s0+s19], $0x80, s23, s19, $0xb8;
	[tilespmem:$0x1E400] =	vst v63  }
0x63: {  	s25 =	sor.u32 $0x2800, s25  }
0x64: {  	[spmem:s3] =	stream.indirect.scatter.add.f32 [tilespmem:s25], [sflag:$0x2], $0x80, s24, s19, $0xb8;
	[tilespmem:$0x1E400] =	vst v63  }
0x65: {  	_ =	swait.ge [sflag:s17], $0x4000  }
0x66: {  	s25 =	simm.s32 $0x1;
	[sflag:s17] =	ssyncset.done $0x0  }
.LBB2_6:
0x67: {  	[sflag:s17] =	ssyncadd.s32 $0xFFFFC000;
	s24 =	sadd.s32 $0x80, s24;
	s23 =	sadd.s32 $0x80, s23  }
0x68: {  	p0 =	sne.s32 s25, $0x26;
	s26 =	smov.u32 s25;
	s25 =	sadd.s32 $0x1, s25  }
0x69: {  	s26 =	sshll.u32 s26, $0xE;
	_ =	swait.ge [sflag:s18], $0x4000  }
0x6a: {  	s26 =	sand.u32 $0x4000, s26;
	[sflag:s18] =	ssyncset.done $0x0  }
0x6b: {  	s28 =	sxor.u32 $0x6800, s26;
	[sflag:s18] =	ssyncadd.s32 $0xFFFFC000  }
0x6c: {  	[tilespmem:s28], [sflag:$0x1] =	stream.indirect.gather [hbm4b:s0+s19], $0x80, s23, s19, $0xb8;
	[tilespmem:$0x1E400] =	vst v63  }
.Ltmp2:
0x6d: {  	_ = 	snop;
	(pc) =	sbr.rel @p0 .LBB2_6-.Ltmp2, $4  }
0x6e: {  	s26 =	sor.u32 $0x2800, s26  }
0x6f: {  	[spmem:s3] =	stream.indirect.scatter.add.f32 [tilespmem:s26], [sflag:$0x2], $0x80, s24, s19, $0xb8;
	[tilespmem:$0x1E400] =	vst v63  }
0x70: {  	_ =	swait.ge [sflag:s17], $0x4000  }
0x71: {  	[sflag:s17] =	ssyncset.done $0x0  }
0x72: {  	[sflag:s17] =	ssyncadd.s32 $0xFFFFC000  }
0x73: {  	_ =	swait.ge [sflag:s18], $0x4000  }
0x74: {  	[sflag:s18] =	ssyncset.done $0x0  }
0x75: {  	[sflag:s18] =	ssyncadd.s32 $0xFFFFC000  }
0x76: {  	[spmem:s3] =	stream.indirect.scatter.add.f32 [tilespmem:s21], [sflag:$0x2], $0x80, s20, s19, $0xb8;
	[tilespmem:$0x1E400] =	vst v63  }
0x77: {  	_ =	swait.ge [sflag:s17], $0x4000  }
0x78: {  	s23 =	sshll.u32 s2, $0x6;
	s22 =	sadd.s32 $0x1, s22;
	[sflag:s17] =	ssyncset.done $0x0  }
0x79: {  	s24 =	sshrl.u32 s5, $0x3;
	p0 =	sne.s32 s22, s15;
	[sflag:s17] =	ssyncadd.s32 $0xFFFFC000  }
.Ltmp3:
0x7a: {  	s23 =	sor.u32 $0x1C02, s23;
	[bflag:$0x0] =	sbarrier.arrive $0xFFFF;
	(pc) =	sbr.rel @p0 .LBB2_1-.Ltmp3, $4  }
0x7b: {  	[hbm:s14], [sflag:s23] =	dma.local [spmem:s24], $0x2780  }
0x7c: {  	_ =	swait.ge [sflag:s17], $0x2780  }
0x7d: {  	[sflag:s17] =	ssyncset.done $0x0  }
0x7e: {  	[sflag:s17] =	ssyncadd.s32 $0xFFFFD880  }
0x7f: {  	_ =	sfence.sel $0x180000  }
0x80: {  	[bflag:$0x0] =	sbarrier.arrive $0xFFFF  }
0x81: {  	p0 =	sne.s32 s2, $0x0;
	_ =	strace $0x9000004D  }
0x82: {  	s0 =	sadd.s32 @!p0 $0x100000, s1;
	[bflag:$0x2] =	sbarrier.arrive $0xFFFF  }
0x83: {  	[sflag:s0] =	ssyncadd.tile.s32 @!p0 $0x1;
	_ =	shalt  }
.Lfunc_end2:
_tile_overlayer_lowered:
.L_overlay_start_2:
0x84: {  	(tag) =	ssettag $0x2  }
0x85: {  	s0 =	rddreg [dreg:$0x0];
	s2 =	stileid.u32  }
0x86: {  	s1 =	rddreg [dreg:$0x1];
	p0 =	sne.s32 s2, $0x0  }
0x87: {  	s3 =	rddreg [dreg:$0x2];
	[bflag:$0x3] =	sbarrier.arrive $0xFFFF;
	s2 =	simm.s32 @!p0 $0x1C02  }
0x88: {  	[timem:s3], [sflag:s2] =	dma.local @!p0 [hbm:s0], s1  }
0x89: {  	s0 =	simm.s32 @!p0 $0x2  }
0x8a: {  	_ =	swait.ge @!p0 [sflag:s0], s1  }
0x8b: {  	s1 =	ssub.s32 @!p0 $0x0, s1;
	[sflag:s0] =	ssyncset.done @!p0 $0x0  }
0x8c: {  	[sflag:s0] =	ssyncadd.s32 @!p0 s1  }
0x8d: {  	[bflag:$0x3] =	sbarrier.arrive $0xFFFF  }
0x8e: {  	_ =	shalt  }

// kernel: kernel.8.cloned.1.call-start
scs
__scs_entry_jumppad:
0x0: {  	(pc) =	sbr.rel $0x88, $3  }
0x1: {  	(tag) =	ssettag $0x0;
	lr =	simm.s32 $0x1  }
0x2: {  	[smem:$0x3F99] =	sst lr;
	_ =	strace $0xD0000000  }
0x3: {  	_ = 	snop  }
0x4: {  	_ = 	snop  }
0x5: {  	_ = 	snop  }
0x6: {  	_ = 	snop  }
0x7: {  	_ = 	snop  }
__scs_overlays_trampoline_lowered:
0x8: {  	[smem:$0x3FA8] =	sst s0  }
0x9: {  	[smem:$0x3FA9] =	sst s1  }
0xa: {  	[smem:$0x3FAA] =	sst s2  }
0xb: {  	[smem:$0x3FAB] =	sst s3  }
0xc: {  	[smem:$0x3FAC] =	sst s4  }
0xd: {  	[smem:$0x3FAD] =	sst s5  }
0xe: {  	[smem:$0x3FAE] =	sst s6  }
0xf: {  	[smem:$0x3FAF] =	sst s7  }
0x10: {  	[smem:$0x3FB0] =	sst s8  }
0x11: {  	[smem:$0x3FB1] =	sst s9;
	s0 =	simm.s32 @!p0 $0x0  }
0x12: {  	s1 =	sld [smem:$0x3F97];
	s0 =	simm.s32 @p0 $0x1  }
0x13: {  	[smem:$0x3FB2] =	sst s0;
	s0 =	simm.s32 @!p1 $0x0  }
0x14: {  	s2 =	sld [smem:$0x3F96];
	s0 =	simm.s32 @p1 $0x1  }
0x15: {  	[smem:$0x3FB3] =	sst s0;
	s0 =	simm.s32 @!p2 $0x0  }
0x16: {  	s3 =	sld [smem:$0x3FDB];
	s0 =	simm.s32 @p2 $0x1  }
0x17: {  	s4 =	simm.s32 $0x1BF5;
	[smem:$0x3FB5] =	sst s0  }
0x18: {  	s0 =	sld [smem:$0x3F98];
	_ =	swait.ge [sflag:s4], $0x0  }
0x19: {  	s7 =	sld [smem:$0x3F99]  }
0x1a: {  	s8 =	sadd.s32 $0xFFFFE003, lr  }
0x1b: {  	s9 =	sadd.s32 $0xFFFFFEF7, lr;
	s5 =	simm.s32 $0xFFFFFFFF;
	p2 =	slt.u32 s8, $0xFFFFF086  }
0x1c: {  	p1 =	slt.u32 s9, $0xF7A;
	s5 =	simm.s32 @!p2 $0x0  }
0x1d: {  	s5 =	simm.s32 @p1 $0x1;
	p0 =	seq.s32 s7, s2  }
0x1e: {  	s7 =	smul.u32 @!p0 $0xF7A, s2;
	p2 =	seq.s32 @!p0 s5, $0x0  }
0x1f: {  	s9 =	smul.u32 $0xF7A, s1;
	s8 =	simm.s32 @!p0 $0x1BF5;
	p2 =	por !p2, p0  }
0x20: {  	[sflag:s8] =	ssyncset.s32 @!p0 $0xFFFFF086;
	s6 =	sadd.s32 @!p0 s3, s7;
	s7 =	simm.s32 @!p0 $0x108  }
0x21: {  	s3 =	sadd.s32 s3, s9;
	s6 =	sadd.s32 @!p0 $0x88, s6;
	s7 =	simm.s32 @p2 $0x1082  }
0x22: {  	[simem:s7], [sflag:s8] =	dma.local @!p0 [hbm:s6], $0xF7A  }
0x23: {  	s9 =	sor.u32 $0xD0000000, s2;
	s6 =	simm.s32 $0x108;
	_ =	swait.ge @!p0 [sflag:s8], $0x0  }
0x24: {  	s3 =	sadd.s32 $0x88, s3;
	s6 =	simm.s32 @!p1 $0x1082;
	[sflag:s4] =	ssyncset.s32 $0xFFFFF086  }
0x25: {  	[simem:s6], [sflag:s4] =	dma.local [hbm:s3], $0xF7A  }
0x26: {  	[smem:$0x3F99] =	sst s1;
	(tag) =	ssettag s2;
	_ =	strace s9  }
0x27: {  	s1 =	sld [smem:$0x3FA9]  }
0x28: {  	s2 =	sld [smem:$0x3FAA]  }
0x29: {  	s4 =	sld [smem:$0x3FAC]  }
0x2a: {  	p0 =	seq.s32 s5, $0x0;
	s5 =	sld [smem:$0x3FAD]  }
0x2b: {  	s6 =	sld [smem:$0x3FAE]  }
0x2c: {  	s7 =	sld [smem:$0x3FAF]  }
0x2d: {  	s3 =	simm.s32 $0x108;
	s8 =	sld [smem:$0x3FB0]  }
0x2e: {  	s3 =	simm.s32 @!p0 $0x1082;
	s9 =	sld [smem:$0x3FB1]  }
0x2f: {  	lr =	sadd.s32 s0, s3;
	s0 =	sld [smem:$0x3FA8]  }
0x30: {  	s3 =	sld [smem:$0x3FAB]  }
0x31: {  	[smem:$0x3FB4] =	sst s10  }
0x32: {  	s10 =	sld [smem:$0x3FB2];
	_ =	sdelay $0x3  }
0x33: {  	p0 =	seq.s32 s10, $0x1;
	s10 =	sld [smem:$0x3FB4];
	_ =	sdelay $0x3  }
0x34: {  	[smem:$0x3FB4] =	sst s10  }
0x35: {  	s10 =	sld [smem:$0x3FB3];
	_ =	sdelay $0x3  }
0x36: {  	p1 =	seq.s32 s10, $0x1;
	s10 =	sld [smem:$0x3FB4];
	_ =	sdelay $0x3  }
0x37: {  	[smem:$0x3FB4] =	sst s10  }
0x38: {  	s10 =	sld [smem:$0x3FB5]  }
0x39: {  	_ = 	snop;
	(pc) =	sbr.ind lr, $3  }
0x3a: {  	_ = 	snop  }
0x3b: {  	_ = 	snop  }
0x3c: {  	p2 =	seq.s32 s10, $0x1;
	s10 =	sld [smem:$0x3FB4]  }
0x3d: {  	_ =	shalt  }
0x3e: {  	_ =	shalt  }
0x3f: {  	_ =	shalt  }
0x40: {  	_ =	shalt  }
0x41: {  	_ =	shalt  }
0x42: {  	_ =	shalt  }
0x43: {  	_ =	shalt  }
0x44: {  	_ =	shalt  }
0x45: {  	_ =	shalt  }
0x46: {  	_ =	shalt  }
0x47: {  	_ =	shalt  }
0x48: {  	_ =	shalt  }
0x49: {  	_ =	shalt  }
0x4a: {  	_ =	shalt  }
0x4b: {  	_ =	shalt  }
0x4c: {  	_ =	shalt  }
0x4d: {  	_ =	shalt  }
0x4e: {  	_ =	shalt  }
0x4f: {  	_ =	shalt  }
0x50: {  	_ =	shalt  }
0x51: {  	_ =	shalt  }
0x52: {  	_ =	shalt  }
0x53: {  	_ =	shalt  }
0x54: {  	_ =	shalt  }
0x55: {  	_ =	shalt  }
0x56: {  	_ =	shalt  }
0x57: {  	_ =	shalt  }
0x58: {  	_ =	shalt  }
0x59: {  	_ =	shalt  }
0x5a: {  	_ =	shalt  }
0x5b: {  	_ =	shalt  }
0x5c: {  	_ =	shalt  }
0x5d: {  	_ =	shalt  }
0x5e: {  	_ =	shalt  }
0x5f: {  	_ =	shalt  }
0x60: {  	_ =	shalt  }
0x61: {  	_ =	shalt  }
0x62: {  	_ =	shalt  }
0x63: {  	_ =	shalt  }
0x64: {  	_ =	shalt  }
0x65: {  	_ =	shalt  }
0x66: {  	_ =	shalt  }
0x67: {  	_ =	shalt  }
0x68: {  	_ =	shalt  }
0x69: {  	_ =	shalt  }
0x6a: {  	_ =	shalt  }
0x6b: {  	_ =	shalt  }
0x6c: {  	_ =	shalt  }
0x6d: {  	_ =	shalt  }
0x6e: {  	_ =	shalt  }
0x6f: {  	_ =	shalt  }
0x70: {  	_ =	shalt  }
0x71: {  	_ =	shalt  }
0x72: {  	_ =	shalt  }
0x73: {  	_ =	shalt  }
0x74: {  	_ =	shalt  }
0x75: {  	_ =	shalt  }
0x76: {  	_ =	shalt  }
0x77: {  	_ =	shalt  }
0x78: {  	_ =	shalt  }
0x79: {  	_ =	shalt  }
0x7a: {  	_ =	shalt  }
0x7b: {  	_ =	shalt  }
0x7c: {  	_ =	shalt  }
0x7d: {  	_ =	shalt  }
0x7e: {  	_ =	shalt  }
0x7f: {  	_ =	shalt  }
0x80: {  	_ =	shalt  }
0x81: {  	_ =	shalt  }
0x82: {  	_ =	shalt  }
0x83: {  	_ =	shalt  }
0x84: {  	_ =	shalt  }
0x85: {  	_ =	shalt  }
0x86: {  	_ =	shalt  }
0x87: {  	_ =	shalt  }
.Lfunc_end0:
.L_simem_size_0:
called_computation_lowered:
.L_overlay_start_0:
0x88: {  	s2 =	sld [smem:$0x3FD9]  }
0x89: {  	s3 =	sld [smem:$0x3FFE];
	_ =	sdelay $0x1  }
0x8a: {  	s1 =	srdreg.scid  }
0x8b: {  	s0 =	sand.u32 $0x1, s1  }
0x8c: {  	s16 =	sshll.u32 s0, $0xA;
	s2 =	sadd.s32 s3, s2  }
0x8d: {  	s2 =	sadd.s32 s2, s16  }
0x8e: {  	[smem:$0x3FC0] =	sst s2  }
0x8f: {  	_ = 	snop  }
0x90: {  	(tm) =	ssettm $0x1  }
0x91: {  	s17 =	sld [smem:$0x3FFB];
	_ =	sdelay $0x3  }
0x92: {  	_ =	strace s17  }
0x93: {  	s2 =	sld [smem:$0x3FFC];
	_ =	sdelay $0x3  }
0x94: {  	_ =	strace s2  }
0x95: {  	s2 =	sld [smem:$0x3FFD];
	_ =	sdelay $0x3  }
0x96: {  	_ =	strace s2  }
0x97: {  	_ =	strace $0x8FFFFFFF  }
0x98: {  	s18 =	sld [smem:$0x3FDB];
	_ =	sdelay $0x1  }
0x99: {  	s19 =	simm.s32 $_scs_section_size  }
0x9a: {  	s4 =	simm.s32 $_size__tile_overlayer_lowered;
	s5 =	simm.s32 $_tile_overlayer_lowered  }
0x9b: {  	s22 =	simm.s32 $0x1BFF;
	s21 =	sshll.u32 s5, $0x1;
	s2 =	sadd.s32 s19, s18  }
0x9c: {  	s6 =	simm.s32 $0x0;
	s20 =	sshll.u32 s4, $0x1;
	s4 =	sadd.s32 s21, s2  }
0x9d: {  	[timem:s6], [sflag:s22] =	dma.local [hbm:s4], s20  }
0x9e: {  	_ =	swait.ge [sflag:s22], s20  }
0x9f: {  	s3 =	ssub.s32 $0x0, s20;
	[sflag:s22] =	ssyncset.done $0x0  }
0xa0: {  	[sflag:s22] =	ssyncadd.s32 s3;
	_ =	sdelay $0x1  }
0xa1: {  	s23 =	simm.s32 $0x1B8B  }
0xa2: {  	_ =	swait.ge [sflag:s23], $0x1  }
0xa3: {  	[sflag:s23] =	ssyncset.done $0x0  }
0xa4: {  	s25 =	simm.s32 $0x1B8E;
	s24 =	sld [smem:$0x3FFE];
	[sflag:s23] =	ssyncadd.s32 $0xFFFFFFFF  }
0xa5: {  	s26 =	simm.s32 $execute0_lowered;
	[smem:$0x3FD2] =	sst s25  }
0xa6: {  	s4 =	sshll.u32 s26, $0x1;
	_ =	strace $0x80000046;
	[dreg:$0x1] =	wrdreg $0xFFFFFFFF  }
0xa7: {  	s28 =	simm.s32 $_size_execute0_lowered;
	s2 =	sadd.s32 s2, s4;
	[dreg:$0x0] =	wrdreg $0x0  }
0xa8: {  	s4 =	sshll.u32 s28, $0x1;
	[dreg:$0x2] =	wrdreg s2  }
0xa9: {  	[dreg:$0x3] =	wrdreg s4  }
0xaa: {  	[dreg:$0x4] =	wrdreg $0xC0  }
0xab: {  	_ =	task [dreg:s6], $0x5FFFF  }
0xac: {  	[dreg:$0x1] =	wrdreg $0xFFFFFFFF  }
0xad: {  	[dreg:$0x0] =	wrdreg $0x60  }
0xae: {  	[dreg:$0x2] =	wrdreg s24  }
0xaf: {  	[dreg:$0x3] =	wrdreg $0x68000  }
0xb0: {  	[dreg:$0x4] =	wrdreg $0x9  }
0xb1: {  	_ =	task.clear_ibuf [dreg:s6], $0x5FFFF;
	_ =	strace $0x90000046  }
0xb2: {  	s29 =	simm.s32 $0x9;
	_ =	strace $0x80000048  }
0xb3: {  	_ =	swait.ge [sflag:s29], $0x1  }
0xb4: {  	[sflag:s29] =	ssyncadd.s32 $0xFFFFFFFF  }
0xb5: {  	_ =	strace $0x90000048  }
0xb6: {  	_ =	sfence  }
0xb7: {  	s30 =	sld [smem:$0x0];
	_ =	sdelay $0x2  }
0xb8: {  	s31 =	sshll.u32 s1, $0xD;
	s1 =	sshrl.u32 s1, $0x2  }
0xb9: {  	s3 =	sand.u32 $0x4000, s31;
	s1 =	sadd.s32 s1, s30  }
0xba: {  	s0 =	sor.u32 s3, s0;
	s1 =	sshll.u32 s1, $0x11  }
0xbb: {  	s0 =	sor.u32 s1, s0  }
0xbc: {  	s0 =	sadd.s32 $0x8F2B, s0  }
0xbd: {  	[sflag:s0] =	ssyncadd.remote.s32 $0x1  }
0xbe: {  	_ =	sfence.sel $0xFFFF  }
0xbf: {  	[dreg:$0x0] =	wrdreg $0xFFFFFFFF;
	(pc) =	sbr.abs _section_cstart, $3  }
0xc0: {  	[dreg:$0x1] =	wrdreg $0xFFFFFFFF  }
0xc1: {  	_ =	task.clear_ibuf [dreg:s6], $0x2FFFF;
	_ =	strace $0x9FFFFFFF  }
0xc2: {  	(tm) =	ssettm $0x7FFFFFFF  }
0xc3: {  	_ =	shalt  }
tec
execute0_lowered:
.L_overlay_start_1:
0x0: {  	(tag) =	ssettag $0x1  }
0x1: {  	s1 =	srdreg.scid;
	s5 =	rddreg [dreg:$0x0]  }
0x2: {  	s0 =	stileid.u32;
	s2 =	rddreg [dreg:$0x1];
	s3 =	simm.s32 $0x0  }
0x3: {  	s12 =	simm.s32 $0x1;
	s13 =	simm.s32 $0x2800;
	s14 =	simm.s32 $0x80  }
0x4: {  	s17 =	simm.s32 $0x0;
	s4 =	sand.u32 $0x1, s1;
	s8 =	smul.u32 $0x13C00, s0  }
0x5: {  	s28 =	sshll.u32 s0, $0x1;
	[smem:$0x7FF] =	sst s3;
	s9 =	smul.u32 $0x4F000, s0  }
0x6: {  	s15 =	sshll.u32 s0, $0x6;
	s1 =	sor.u32 s4, s28;
	s7 =	smul.u32 $0x13C000, s4  }
0x7: {  	s29 =	ssub.s32 $0x2, s4;
	s15 =	sor.u32 $0x1C01, s15;
	s6 =	smul.u32 $0x500, s1  }
0x8: {  	s1 =	rddreg [dreg:$0x2];
	_ =	strace $0x80000047;
	s30 =	sshrl.u32 s9, $0x2  }
0x9: {  	s31 =	sshrl.u32 s29, $0x1;
	s7 =	sadd.s32 s8, s7;
	s4 =	sadd.s32 s30, s2  }
0xa: {  	s11 =	ssub.s32 s29, s31;
	s6 =	sadd.s32 s6, s5;
	s7 =	sshrl.u32 s7, $0x3  }
0xb: {  	s8 =	sadd.s32 $0xC000, s4;
	s9 =	sadd.s32 $0x10000, s4;
	s11 =	smax.u32 s11, $0x1  }
0xc: {  	s16 =	sshrl.u32 s4, $0x3;
	s10 =	sadd.s32 s7, s5;
	s5 =	sadd.s32 $0x2C00, s6  }
0xd: {  	v0 =	vimm.f32 $0.0e+00;
	v1 =	vimm.f32 $1.000000000e+00;
	s6 =	sadd.s32 $0x4000, s4;
	s7 =	sadd.s32 $0x8000, s4;
	s10 =	sadd.s32 $0x16C00, s10  }
.LBB2_1:
0xe: {  	[tilespmem:s3], [sflag:$0x1] =	stream.linear.gather [hbm4b:s5+s3], $0x2800, $0x38;
	[tilespmem:$0x8F80] =	vst v63  }
0xf: {  	_ =	swait.ge [sflag:s12], $0x2800  }
0x10: {  	[sflag:s12] =	ssyncset.done $0x0  }
0x11: {  	s18 =	simm.s32 $0x200;
	s19 =	simm.s32 $0x0;
	[sflag:s12] =	ssyncadd.s32 $0xFFFFD800  }
.LBB2_2:
0x12: {  	p0 =	sne.s32 s18, $0xFE00;
	[tilespmem:s19+$0x2800] =	vst v0;
	s19 =	smov.u32 s18;
	s18 =	sadd.s32 $0x200, s18  }
.Ltmp0:
0x13: {  	(pc) =	sbr.rel @p0 .LBB2_2-.Ltmp0, $2  }
0x14: {  	_ =	sdelay $0x2  }
0x15: {  	s19 =	sshra.s32 s19, $0x2  }
0x16: {  	[tilespmem:s19+$0x2800] =	vst v0  }
0x17: {  	[spmem:s4] =	stream.linear.scatter [tilespmem:s13], [sflag:$0x1], $0x4000, $0x38;
	[tilespmem:$0x8F80] =	vst v63  }
0x18: {  	_ =	swait.ge [sflag:s12], $0x4000  }
0x19: {  	[sflag:s12] =	ssyncset.done $0x0  }
0x1a: {  	[sflag:s12] =	ssyncadd.s32 $0xFFFFC000  }
0x1b: {  	[spmem:s6] =	stream.linear.scatter [tilespmem:s13], [sflag:$0x1], $0x4000, $0x38;
	[tilespmem:$0x8F80] =	vst v63  }
0x1c: {  	_ =	swait.ge [sflag:s12], $0x4000  }
0x1d: {  	[sflag:s12] =	ssyncset.done $0x0  }
0x1e: {  	[sflag:s12] =	ssyncadd.s32 $0xFFFFC000  }
0x1f: {  	[spmem:s7] =	stream.linear.scatter [tilespmem:s13], [sflag:$0x1], $0x4000, $0x38;
	[tilespmem:$0x8F80] =	vst v63  }
0x20: {  	_ =	swait.ge [sflag:s12], $0x4000  }
0x21: {  	[sflag:s12] =	ssyncset.done $0x0  }
0x22: {  	[sflag:s12] =	ssyncadd.s32 $0xFFFFC000  }
0x23: {  	[spmem:s8] =	stream.linear.scatter [tilespmem:s13], [sflag:$0x1], $0x4000, $0x38;
	[tilespmem:$0x8F80] =	vst v63  }
0x24: {  	_ =	swait.ge [sflag:s12], $0x4000  }
0x25: {  	[sflag:s12] =	ssyncset.done $0x0  }
0x26: {  	[sflag:s12] =	ssyncadd.s32 $0xFFFFC000  }
0x27: {  	[spmem:s9] =	stream.linear.scatter [tilespmem:s13], [sflag:$0x1], $0x3C00, $0x38;
	[tilespmem:$0x8F80] =	vst v63  }
0x28: {  	_ =	swait.ge [sflag:s12], $0x3C00  }
0x29: {  	[sflag:s12] =	ssyncset.done $0x0  }
0x2a: {  	s18 =	simm.s32 $0x200;
	s19 =	simm.s32 $0x0;
	[sflag:s12] =	ssyncadd.s32 $0xFFFFC400  }
.LBB2_4:
0x2b: {  	p0 =	sne.s32 s18, $0xFE00;
	[tilespmem:s19+$0x2800] =	vst v1;
	s19 =	smov.u32 s18;
	s18 =	sadd.s32 $0x200, s18  }
.Ltmp1:
0x2c: {  	(pc) =	sbr.rel @p0 .LBB2_4-.Ltmp1, $2  }
0x2d: {  	_ =	sdelay $0x2  }
0x2e: {  	s19 =	sshra.s32 s19, $0x2  }
0x2f: {  	[tilespmem:s19+$0x2800] =	vst v1  }
0x30: {  	s18 =	simm.s32 $0x0;
	[bflag:$0x0] =	sbarrier.arrive $0xFFFF  }
0x31: {  	[spmem:s2] =	stream.indirect.scatter.add.f32 [tilespmem:s13], [sflag:$0x1], $0x10, s18, s14, $0xb8;
	[tilespmem:$0x8F80] =	vst v63  }
0x32: {  	_ =	swait.ge [sflag:s12], $0x800  }
0x33: {  	s18 =	simm.s32 $0x200;
	[sflag:s12] =	ssyncset.done $0x0  }
.LBB2_6:
0x34: {  	s19 =	sshra.s32 s18, $0x2;
	[sflag:s12] =	ssyncadd.s32 $0xFFFFF800;
	p0 =	sne.s32 s18, $0x9E00  }
0x35: {  	[spmem:s2] =	stream.indirect.scatter.add.f32 [tilespmem:s13], [sflag:$0x1], $0x10, s19, s14, $0xb8;
	[tilespmem:$0x8F80] =	vst v63  }
.Ltmp2:
0x36: {  	_ = 	snop;
	(pc) =	sbr.rel @p0 .LBB2_6-.Ltmp2, $4  }
0x37: {  	_ = 	snop  }
0x38: {  	s18 =	sadd.s32 $0x200, s18  }
0x39: {  	_ =	swait.ge [sflag:s12], $0x800  }
0x3a: {  	[sflag:s12] =	ssyncset.done $0x0  }
0x3b: {  	s17 =	sadd.s32 $0x1, s17  }
0x3c: {  	[sflag:s12] =	ssyncadd.s32 $0xFFFFF800;
	p0 =	sne.s32 s17, s11  }
.Ltmp3:
0x3d: {  	[bflag:$0x0] =	sbarrier.arrive $0xFFFF;
	(pc) =	sbr.rel @p0 .LBB2_1-.Ltmp3, $4  }
0x3e: {  	[hbm:s10], [sflag:s15] =	dma.local [spmem:s16], $0x2780  }
0x3f: {  	_ =	swait.ge [sflag:s12], $0x2780  }
0x40: {  	[sflag:s12] =	ssyncset.done $0x0  }
0x41: {  	[sflag:s12] =	ssyncadd.s32 $0xFFFFD880  }
0x42: {  	_ =	sfence.sel $0x180000  }
0x43: {  	[bflag:$0x0] =	sbarrier.arrive $0xFFFF  }
0x44: {  	p0 =	sne.s32 s0, $0x0;
	_ =	strace $0x90000047  }
0x45: {  	s0 =	sadd.s32 @!p0 $0x100000, s1;
	[bflag:$0x2] =	sbarrier.arrive $0xFFFF  }
0x46: {  	[sflag:s0] =	ssyncadd.tile.s32 @!p0 $0x1;
	_ =	shalt  }
.Lfunc_end2:
_tile_overlayer_lowered:
.L_overlay_start_2:
0x47: {  	(tag) =	ssettag $0x2  }
0x48: {  	s0 =	rddreg [dreg:$0x0];
	s2 =	stileid.u32  }
0x49: {  	s1 =	rddreg [dreg:$0x1];
	p0 =	sne.s32 s2, $0x0  }
0x4a: {  	s3 =	rddreg [dreg:$0x2];
	[bflag:$0x3] =	sbarrier.arrive $0xFFFF;
	s2 =	simm.s32 @!p0 $0x1C01  }
0x4b: {  	[timem:s3], [sflag:s2] =	dma.local @!p0 [hbm:s0], s1  }
0x4c: {  	s0 =	simm.s32 @!p0 $0x1  }
0x4d: {  	_ =	swait.ge @!p0 [sflag:s0], s1  }
0x4e: {  	s1 =	ssub.s32 @!p0 $0x0, s1;
	[sflag:s0] =	ssyncset.done @!p0 $0x0  }
0x4f: {  	[sflag:s0] =	ssyncadd.s32 @!p0 s1  }
0x50: {  	[bflag:$0x3] =	sbarrier.arrive $0xFFFF  }
0x51: {  	_ =	shalt  }

</sc_bundles>
